<compile_context>
chip_gen: v7x
topology: tpu7x:2x2x1
jax: 0.10.2.dev20260603
libtpu: 0.0.44.dev20260713+nightly
codegen_flags: <defaults>
</compile_context>

<pallas_src>
import functools

import jax
import jax.numpy as jnp
from jax import lax
from jax.experimental import pallas as pl
from jax.experimental.pallas import tpu as pltpu
from jax.experimental.pallas import tpu_sc as plsc

_SEQ = 4096
_ROWS = 16
_SPANS = 4
_NW = 32
_CHUNK = (_ROWS * _SEQ) // _NW
_STEPS = _CHUNK // 16


def _lane_scalar(v, lane, k):
    return jnp.sum(jnp.where(lane == k, v, jnp.int32(0)))


def _body(u_hbm, ss_hbm, ls_hbm, su_hbm, pos_hbm, tm_hbm, cm_hbm,
          u_v, ss_v, ls_v, su_v, pos_v, tm_v, cm_v):
    wid = lax.axis_index("s") * 2 + lax.axis_index("c")
    row = wid // 2
    half = wid % 2
    base = half * _CHUNK

    pltpu.sync_copy(u_hbm, u_v)
    pltpu.sync_copy(ss_hbm, ss_v)
    pltpu.sync_copy(ls_hbm, ls_v)
    pltpu.sync_copy(su_hbm, su_v)

    lane = lax.broadcasted_iota(jnp.int32, (16,), 0)
    chunk = (row // 4) * 16
    l0 = (row % 4) * _SPANS
    u = u_v[pl.ds(chunk, 16)]
    ss = ss_v[pl.ds(chunk, 16)]
    ls = ls_v[pl.ds(chunk, 16)]
    su = su_v[pl.ds(chunk, 16)]

    scales = jnp.where(u < 0.5, ss, ls)
    span_lens = jnp.maximum((scales * float(_SEQ)).astype(jnp.int32), 1)
    max_starts = jnp.maximum(_SEQ - span_lens, 0)
    starts = (su * (max_starts.astype(jnp.float32) + 1.0)).astype(jnp.int32)
    ends = jnp.minimum(starts + span_lens, _SEQ)

    valid = (lane >= l0) & (lane < l0 + _SPANS)
    key = jnp.where(valid, starts, jnp.int32(2 ** 30))
    val = jnp.where(valid, ends, jnp.int32(0))
    s_sorted, e_sorted = plsc.sort_key_val(key, val)

    run_end = jnp.int32(0)
    cum = jnp.int32(0)
    spans = []
    for k in range(_SPANS):
        sk = _lane_scalar(s_sorted, lane, k)
        ek = _lane_scalar(e_sorted, lane, k)
        s_clip = jnp.maximum(sk, run_end)
        ln = jnp.maximum(ek - s_clip, 0)
        spans.append((s_clip, s_clip + ln, cum, cum + ln, s_clip - cum))
        run_end = jnp.maximum(run_end, ek)
        cum = cum + ln

    one = jnp.int32(1)
    zero = jnp.int32(0)

    def step(i, carry):
        j = base + i * 16 + lane
        t = (j >= spans[0][0]) & (j < spans[0][1])
        p = jnp.full((16,), _SEQ, jnp.int32)
        for ms, me, clo, chi, off in spans:
            t = t | ((j >= ms) & (j < me))
            p = jnp.where((j >= clo) & (j < chi), j + off, p)
        tm_v[pl.ds(i * 16, 16)] = jnp.where(t, one, zero)
        cm_v[pl.ds(i * 16, 16)] = jnp.where(t, zero, one)
        pos_v[pl.ds(i * 16, 16)] = p
        return carry

    lax.fori_loop(0, _STEPS, step, 0, unroll=4)

    pltpu.sync_copy(pos_v, pos_hbm.at[row, pl.ds(base, _CHUNK)])
    pltpu.sync_copy(tm_v, tm_hbm.at[row, pl.ds(base, _CHUNK)])
    pltpu.sync_copy(cm_v, cm_hbm.at[row, pl.ds(base, _CHUNK)])


_span_masks = functools.partial(
    pl.kernel,
    out_type=(
        jax.ShapeDtypeStruct((_ROWS, _SEQ), jnp.int32),
        jax.ShapeDtypeStruct((_ROWS, _SEQ), jnp.int32),
        jax.ShapeDtypeStruct((_ROWS, _SEQ), jnp.int32),
    ),
    mesh=plsc.VectorSubcoreMesh(core_axis_name="c", subcore_axis_name="s"),
    compiler_params=pltpu.CompilerParams(needs_layout_passes=False),
    scratch_types=[
        pltpu.VMEM((_ROWS * _SPANS,), jnp.float32),
        pltpu.VMEM((_ROWS * _SPANS,), jnp.float32),
        pltpu.VMEM((_ROWS * _SPANS,), jnp.float32),
        pltpu.VMEM((_ROWS * _SPANS,), jnp.float32),
        pltpu.VMEM((_CHUNK,), jnp.int32),
        pltpu.VMEM((_CHUNK,), jnp.int32),
        pltpu.VMEM((_CHUNK,), jnp.int32),
    ],
)(_body)


@jax.jit
def kernel(use_small_u, small_scales, large_scales, start_u):
    pos, tm, cm = _span_masks(use_small_u, small_scales, large_scales, start_u)
    return (cm.astype(jnp.bool_), tm.astype(jnp.bool_), pos)

# --- scband reference (transcript-rebuilt; emitter-appended) ---
"""Pipeline reference for scband-span-mask-generator-13795434955369 (READ-ONLY COPY).

The authoritative reference and input builder live on the scoring server;
editing this copy changes nothing except your own understanding.
"""

import jax, jax.numpy as jnp
import numpy as np

BATCH = 16
SEQ = 4096
NUM_BLOCKS = 4
P_SMALL = 0.5
SMALL_MIN, SMALL_MAX = 0.05, 0.15
LARGE_MIN, LARGE_MAX = 0.15, 0.25


def setup_inputs(seed: int = 0) -> dict:
    key = jax.random.key(seed)
    k1, k2, k3, k4 = jax.random.split(key, 4)
    total = BATCH * NUM_BLOCKS
    return {
        "use_small_u": jax.random.uniform(k1, (total,), dtype=jnp.float32),
        "small_scales": jax.random.uniform(k2, (total,), dtype=jnp.float32, minval=SMALL_MIN, maxval=SMALL_MAX),
        "large_scales": jax.random.uniform(k3, (total,), dtype=jnp.float32, minval=LARGE_MIN, maxval=LARGE_MAX),
        "start_u": jax.random.uniform(k4, (total,), dtype=jnp.float32),
    }


def reference(use_small_u, small_scales, large_scales, start_u):
    # hierarchical scale selection
    use_small = use_small_u < P_SMALL
    scales = jnp.where(use_small, small_scales, large_scales)
    # span lengths and starts (same math as torch module)
    span_lens = jnp.clip((scales * SEQ).astype(jnp.int32), 1)
    max_starts = jnp.clip(SEQ - span_lens, 0)
    starts = (start_u * (max_starts.astype(jnp.float32) + 1.0)).astype(jnp.int32)
    ends = jnp.minimum(starts + span_lens, SEQ)
    # vectorized span painting: pos in [start, end) per span, OR-reduce over spans of each batch item
    pos = jnp.arange(SEQ, dtype=jnp.int32)
    span_mask = (pos[None, :] >= starts[:, None]) & (pos[None, :] < ends[:, None])  # [B*NB, SEQ]
    target_mask = span_mask.reshape(BATCH, NUM_BLOCKS, SEQ).any(axis=1)  # [B, SEQ]
    context_mask = jnp.logical_not(target_mask)
    # target_positions: nonzero indices per row, padded with SEQ (jit-compatible dense form of List[Tensor])
    idx = jnp.where(target_mask, pos[None, :], SEQ)
    target_positions = jnp.sort(idx, axis=1)  # valid positions first, pad value SEQ at the end
    return (context_mask, target_mask, target_positions)

if __name__ == "__main__":
    import jax
    _d = setup_inputs()
    print(jax.jit(kernel)(*tuple(_d.values())))

</pallas_src>

<mosaic_0001>
#map = affine_map<(d0, d1) -> (0)>
#map1 = affine_map<(d0, d1) -> (0, 0)>
module attributes {stable_mosaic.version = 14 : i64} {
  func.func @_body(%arg0: i32, %arg1: i32, %arg2: memref<64xf32, #tpu.memory_space<hbm>>, %arg3: memref<64xf32, #tpu.memory_space<hbm>>, %arg4: memref<64xf32, #tpu.memory_space<hbm>>, %arg5: memref<64xf32, #tpu.memory_space<hbm>>, %arg6: memref<16x4096xi32, #tpu.memory_space<hbm>>, %arg7: memref<16x4096xi32, #tpu.memory_space<hbm>>, %arg8: memref<16x4096xi32, #tpu.memory_space<hbm>>, %arg9: memref<64xf32, #tpu.memory_space<vmem>>, %arg10: memref<64xf32, #tpu.memory_space<vmem>>, %arg11: memref<64xf32, #tpu.memory_space<vmem>>, %arg12: memref<64xf32, #tpu.memory_space<vmem>>, %arg13: memref<2048xi32, #tpu.memory_space<vmem>>, %arg14: memref<2048xi32, #tpu.memory_space<vmem>>, %arg15: memref<2048xi32, #tpu.memory_space<vmem>>) attributes {dimension_semantics = [#tpu.dimension_semantics<core_parallel>, #tpu.dimension_semantics<subcore_parallel>], iteration_bounds = array<i64: 2, 16>, scalar_prefetch = 0 : i64, scratch_operands = 7 : i64, tpu.core_type = #tpu.core_type<sc_vector_subcore>, window_params = [{transform_indices = #map}, {transform_indices = #map}, {transform_indices = #map}, {transform_indices = #map}, {transform_indices = #map1}, {transform_indices = #map1}, {transform_indices = #map1}]} {
    %mul3A = arith.constant 2 : i32
    %mul3A_0 = arith.muli %arg1, %mul3A : i32
    %add3A = arith.addi %mul3A_0, %arg0 : i32
    %jit3A = arith.constant 2 : i32
    %div3A = arith.divsi %add3A, %jit3A : i32
    %sign3A = arith.constant 0 : i32
    %sign3A_1 = arith.cmpi sgt, %add3A, %sign3A : i32
    %sign3A_2 = arith.extui %sign3A_1 : i1 to i32
    %sign3A_3 = arith.constant 0 : i32
    %sign3A_4 = arith.cmpi slt, %add3A, %sign3A_3 : i32
    %sign3A_5 = arith.extui %sign3A_4 : i1 to i32
    %sign3A_6 = arith.subi %sign3A_2, %sign3A_5 : i32
    %sign3A_7 = arith.constant 0 : i32
    %sign3A_8 = arith.cmpi sgt, %jit3A, %sign3A_7 : i32
    %sign3A_9 = arith.extui %sign3A_8 : i1 to i32
    %sign3A_10 = arith.constant 0 : i32
    %sign3A_11 = arith.cmpi slt, %jit3A, %sign3A_10 : i32
    %sign3A_12 = arith.extui %sign3A_11 : i1 to i32
    %sign3A_13 = arith.subi %sign3A_9, %sign3A_12 : i32
    %ne3A = arith.cmpi ne, %sign3A_6, %sign3A_13 : i32
    %rem3A = arith.remsi %add3A, %jit3A : i32
    %ne3A_14 = arith.constant 0 : i32
    %ne3A_15 = arith.cmpi ne, %rem3A, %ne3A_14 : i32
    %and3A = arith.andi %ne3A, %ne3A_15 : i1
    %sub3A = arith.constant 1 : i32
    %sub3A_16 = arith.subi %div3A, %sub3A : i32
    %select_n3A = arith.select %and3A, %sub3A_16, %div3A : i32
    %jit3A_17 = arith.constant 2 : i32
    %eq3A = arith.constant 0 : i32
    %eq3A_18 = arith.cmpi eq, %jit3A_17, %eq3A : i32
    %jit3A_19 = arith.constant 1 : i32
    %select_n3A_20 = arith.select %eq3A_18, %jit3A_19, %jit3A_17 : i32
    %rem3A_21 = arith.remsi %add3A, %select_n3A_20 : i32
    %ne3A_22 = arith.constant 0 : i32
    %ne3A_23 = arith.cmpi ne, %rem3A_21, %ne3A_22 : i32
    %lt3A = arith.constant 0 : i32
    %lt3A_24 = arith.cmpi slt, %rem3A_21, %lt3A : i32
    %lt3A_25 = arith.constant 0 : i32
    %lt3A_26 = arith.cmpi slt, %select_n3A_20, %lt3A_25 : i32
    %ne3A_27 = arith.xori %lt3A_24, %lt3A_26 : i1
    %and3A_28 = arith.andi %ne3A_27, %ne3A_23 : i1
    %add3A_29 = arith.addi %rem3A_21, %select_n3A_20 : i32
    %select_n3A_30 = arith.select %and3A_28, %add3A_29, %rem3A_21 : i32
    %mul3A_31 = arith.constant 2048 : i32
    %mul3A_32 = arith.muli %select_n3A_30, %mul3A_31 : i32
    "tpu.region"() ({
      %run_scoped3A = tpu.sem_alloc : memref<!tpu.dma_semaphore, #tpu.memory_space<semaphore_mem>>
      tpu.enqueue_dma source(%arg2 : memref<64xf32, #tpu.memory_space<hbm>>) target(%arg9 : memref<64xf32, #tpu.memory_space<vmem>>) target_semaphore(%run_scoped3A : memref<!tpu.dma_semaphore, #tpu.memory_space<semaphore_mem>>)
      tpu.wait_dma2 semaphore(%run_scoped3A : memref<!tpu.dma_semaphore, #tpu.memory_space<semaphore_mem>>) src(%arg2 : memref<64xf32, #tpu.memory_space<hbm>>) dst(%arg9 : memref<64xf32, #tpu.memory_space<vmem>>)
      tpu.yield
    }) : () -> ()
    "tpu.region"() ({
      %run_scoped3A = tpu.sem_alloc : memref<!tpu.dma_semaphore, #tpu.memory_space<semaphore_mem>>
      tpu.enqueue_dma source(%arg3 : memref<64xf32, #tpu.memory_space<hbm>>) target(%arg10 : memref<64xf32, #tpu.memory_space<vmem>>) target_semaphore(%run_scoped3A : memref<!tpu.dma_semaphore, #tpu.memory_space<semaphore_mem>>)
      tpu.wait_dma2 semaphore(%run_scoped3A : memref<!tpu.dma_semaphore, #tpu.memory_space<semaphore_mem>>) src(%arg3 : memref<64xf32, #tpu.memory_space<hbm>>) dst(%arg10 : memref<64xf32, #tpu.memory_space<vmem>>)
      tpu.yield
    }) : () -> ()
    "tpu.region"() ({
      %run_scoped3A = tpu.sem_alloc : memref<!tpu.dma_semaphore, #tpu.memory_space<semaphore_mem>>
      tpu.enqueue_dma source(%arg4 : memref<64xf32, #tpu.memory_space<hbm>>) target(%arg11 : memref<64xf32, #tpu.memory_space<vmem>>) target_semaphore(%run_scoped3A : memref<!tpu.dma_semaphore, #tpu.memory_space<semaphore_mem>>)
      tpu.wait_dma2 semaphore(%run_scoped3A : memref<!tpu.dma_semaphore, #tpu.memory_space<semaphore_mem>>) src(%arg4 : memref<64xf32, #tpu.memory_space<hbm>>) dst(%arg11 : memref<64xf32, #tpu.memory_space<vmem>>)
      tpu.yield
    }) : () -> ()
    "tpu.region"() ({
      %run_scoped3A = tpu.sem_alloc : memref<!tpu.dma_semaphore, #tpu.memory_space<semaphore_mem>>
      tpu.enqueue_dma source(%arg5 : memref<64xf32, #tpu.memory_space<hbm>>) target(%arg12 : memref<64xf32, #tpu.memory_space<vmem>>) target_semaphore(%run_scoped3A : memref<!tpu.dma_semaphore, #tpu.memory_space<semaphore_mem>>)
      tpu.wait_dma2 semaphore(%run_scoped3A : memref<!tpu.dma_semaphore, #tpu.memory_space<semaphore_mem>>) src(%arg5 : memref<64xf32, #tpu.memory_space<hbm>>) dst(%arg12 : memref<64xf32, #tpu.memory_space<vmem>>)
      tpu.yield
    }) : () -> ()
    %iota3A = tpu.iota {dimensions = array<i32: 0>} : vector<16xi32>
    %jit3A_33 = arith.constant 4 : i32
    %div3A_34 = arith.divsi %select_n3A, %jit3A_33 : i32
    %sign3A_35 = arith.constant 0 : i32
    %sign3A_36 = arith.cmpi sgt, %select_n3A, %sign3A_35 : i32
    %sign3A_37 = arith.extui %sign3A_36 : i1 to i32
    %sign3A_38 = arith.constant 0 : i32
    %sign3A_39 = arith.cmpi slt, %select_n3A, %sign3A_38 : i32
    %sign3A_40 = arith.extui %sign3A_39 : i1 to i32
    %sign3A_41 = arith.subi %sign3A_37, %sign3A_40 : i32
    %sign3A_42 = arith.constant 0 : i32
    %sign3A_43 = arith.cmpi sgt, %jit3A_33, %sign3A_42 : i32
    %sign3A_44 = arith.extui %sign3A_43 : i1 to i32
    %sign3A_45 = arith.constant 0 : i32
    %sign3A_46 = arith.cmpi slt, %jit3A_33, %sign3A_45 : i32
    %sign3A_47 = arith.extui %sign3A_46 : i1 to i32
    %sign3A_48 = arith.subi %sign3A_44, %sign3A_47 : i32
    %ne3A_49 = arith.cmpi ne, %sign3A_41, %sign3A_48 : i32
    %rem3A_50 = arith.remsi %select_n3A, %jit3A_33 : i32
    %ne3A_51 = arith.constant 0 : i32
    %ne3A_52 = arith.cmpi ne, %rem3A_50, %ne3A_51 : i32
    %and3A_53 = arith.andi %ne3A_49, %ne3A_52 : i1
    %sub3A_54 = arith.constant 1 : i32
    %sub3A_55 = arith.subi %div3A_34, %sub3A_54 : i32
    %select_n3A_56 = arith.select %and3A_53, %sub3A_55, %div3A_34 : i32
    %mul3A_57 = arith.constant 16 : i32
    %mul3A_58 = arith.muli %select_n3A_56, %mul3A_57 : i32
    %jit3A_59 = arith.constant 4 : i32
    %eq3A_60 = arith.constant 0 : i32
    %eq3A_61 = arith.cmpi eq, %jit3A_59, %eq3A_60 : i32
    %jit3A_62 = arith.constant 1 : i32
    %select_n3A_63 = arith.select %eq3A_61, %jit3A_62, %jit3A_59 : i32
    %rem3A_64 = arith.remsi %select_n3A, %select_n3A_63 : i32
    %ne3A_65 = arith.constant 0 : i32
    %ne3A_66 = arith.cmpi ne, %rem3A_64, %ne3A_65 : i32
    %lt3A_67 = arith.constant 0 : i32
    %lt3A_68 = arith.cmpi slt, %rem3A_64, %lt3A_67 : i32
    %lt3A_69 = arith.constant 0 : i32
    %lt3A_70 = arith.cmpi slt, %select_n3A_63, %lt3A_69 : i32
    %ne3A_71 = arith.xori %lt3A_68, %lt3A_70 : i1
    %and3A_72 = arith.andi %ne3A_71, %ne3A_66 : i1
    %add3A_73 = arith.addi %rem3A_64, %select_n3A_63 : i32
    %select_n3A_74 = arith.select %and3A_72, %add3A_73, %rem3A_64 : i32
    %mul3A_75 = arith.constant 4 : i32
    %mul3A_76 = arith.muli %select_n3A_74, %mul3A_75 : i32
    %get3A = arith.index_cast %mul3A_58 : i32 to index
    %get3A_77 = tpu.vector_load %arg9[%get3A] {strides = array<i32>} : memref<64xf32, #tpu.memory_space<vmem>>, vector<16xf32>,
    %get3A_78 = arith.index_cast %mul3A_58 : i32 to index
    %get3A_79 = tpu.vector_load %arg10[%get3A_78] {strides = array<i32>} : memref<64xf32, #tpu.memory_space<vmem>>, vector<16xf32>,
    %get3A_80 = arith.index_cast %mul3A_58 : i32 to index
    %get3A_81 = tpu.vector_load %arg11[%get3A_80] {strides = array<i32>} : memref<64xf32, #tpu.memory_space<vmem>>, vector<16xf32>,
    %get3A_82 = arith.index_cast %mul3A_58 : i32 to index
    %get3A_83 = tpu.vector_load %arg12[%get3A_82] {strides = array<i32>} : memref<64xf32, #tpu.memory_space<vmem>>, vector<16xf32>,
    %lt3A_84 = arith.constant 5.000000e-01 : f32
    %lt3A_85 = vector.broadcast %lt3A_84 : f32 to vector<16xf32>
    %lt3A_86 = arith.cmpf olt, %get3A_77, %lt3A_85 : vector<16xf32>
    %select_n3A_87 = arith.select %lt3A_86, %get3A_79, %get3A_81 : vector<16xi1>, vector<16xf32>
    %mul3A_88 = arith.constant 4.096000e+03 : f32
    %mul3A_89 = vector.broadcast %mul3A_88 : f32 to vector<16xf32>
    %mul3A_90 = arith.mulf %select_n3A_87, %mul3A_89 : vector<16xf32>
    %convert_element_type3A = arith.fptosi %mul3A_90 : vector<16xf32> to vector<16xi32>
    %max3A = arith.constant 1 : i32
    %max3A_91 = vector.broadcast %max3A : i32 to vector<16xi32>
    %max3A_92 = arith.maxsi %convert_element_type3A, %max3A_91 : vector<16xi32>
    %sub3A_93 = arith.constant 4096 : i32
    %sub3A_94 = vector.broadcast %sub3A_93 : i32 to vector<16xi32>
    %sub3A_95 = arith.subi %sub3A_94, %max3A_92 : vector<16xi32>
    %max3A_96 = arith.constant 0 : i32
    %max3A_97 = vector.broadcast %max3A_96 : i32 to vector<16xi32>
    %max3A_98 = arith.maxsi %sub3A_95, %max3A_97 : vector<16xi32>
    %convert_element_type3A_99 = arith.sitofp %max3A_98 : vector<16xi32> to vector<16xf32>
    %add3A_100 = arith.constant 1.000000e+00 : f32
    %add3A_101 = vector.broadcast %add3A_100 : f32 to vector<16xf32>
    %add3A_102 = arith.addf %convert_element_type3A_99, %add3A_101 : vector<16xf32>
    %mul3A_103 = arith.mulf %get3A_83, %add3A_102 : vector<16xf32>
    %convert_element_type3A_104 = arith.fptosi %mul3A_103 : vector<16xf32> to vector<16xi32>
    %add3A_105 = arith.addi %convert_element_type3A_104, %max3A_92 : vector<16xi32>
    %min3A = arith.constant 4096 : i32
    %min3A_106 = vector.broadcast %min3A : i32 to vector<16xi32>
    %min3A_107 = arith.minsi %add3A_105, %min3A_106 : vector<16xi32>
    %ge3A = vector.broadcast %mul3A_76 : i32 to vector<16xi32>
    %ge3A_108 = arith.cmpi sge, %iota3A, %ge3A : vector<16xi32>
    %add3A_109 = arith.constant 4 : i32
    %add3A_110 = arith.addi %mul3A_76, %add3A_109 : i32
    %lt3A_111 = vector.broadcast %add3A_110 : i32 to vector<16xi32>
    %lt3A_112 = arith.cmpi slt, %iota3A, %lt3A_111 : vector<16xi32>
    %and3A_113 = arith.andi %ge3A_108, %lt3A_112 : vector<16xi1>
    %jit3A_114 = arith.constant 1073741824 : i32
    %broadcast_in_dim3A = vector.broadcast %jit3A_114 : i32 to vector<16xi32>
    %select_n3A_115 = arith.select %and3A_113, %convert_element_type3A_104, %broadcast_in_dim3A : vector<16xi1>, vector<16xi32>
    %jit3A_116 = arith.constant 0 : i32
    %broadcast_in_dim3A_117 = vector.broadcast %jit3A_116 : i32 to vector<16xi32>
    %select_n3A_118 = arith.select %and3A_113, %min3A_107, %broadcast_in_dim3A_117 : vector<16xi1>, vector<16xi32>
    %masked_sort3A = arith.constant dense<true> : vector<16xi1>
    %masked_sort3A_119 = arith.constant -2147483648 : i32
    %masked_sort3A_120 = vector.broadcast %masked_sort3A_119 : i32 to vector<16xi32>
    %masked_sort3A_121 = arith.xori %select_n3A_115, %masked_sort3A_120 : vector<16xi32>
    %masked_sort3A_122, %masked_sort3A_123, %masked_sort3A_124 = tpu.sort %masked_sort3A_121, %select_n3A_118 masked %masked_sort3A : (vector<16xi32>, vector<16xi32>, vector<16xi1>) -> (vector<16xi1>, vector<16xi32>, vector<16xi32>)
    %masked_sort3A_125 = arith.xori %masked_sort3A_123, %masked_sort3A_120 : vector<16xi32>
    %eq3A_126 = arith.constant 0 : i32
    %eq3A_127 = vector.broadcast %eq3A_126 : i32 to vector<16xi32>
    %eq3A_128 = arith.cmpi eq, %iota3A, %eq3A_127 : vector<16xi32>
    %jit3A_129 = arith.constant 0 : i32
    %broadcast_in_dim3A_130 = vector.broadcast %jit3A_129 : i32 to vector<16xi32>
    %select_n3A_131 = arith.select %eq3A_128, %masked_sort3A_125, %broadcast_in_dim3A_130 : vector<16xi1>, vector<16xi32>
    %reduce_sum3A = arith.constant true
    %reduce_sum3A_132 = vector.broadcast %reduce_sum3A : i1 to vector<16xi1>
    %reduce_sum3A_133 = tpu.scan <sum>, %select_n3A_131 masked %reduce_sum3A_132 : vector<16xi32>, vector<16xi1> -> vector<16xi32>
    %reduce_sum3A_134 = vector.extract %reduce_sum3A_133[15] : i32 from vector<16xi32>
    %eq3A_135 = arith.constant 0 : i32
    %eq3A_136 = vector.broadcast %eq3A_135 : i32 to vector<16xi32>
    %eq3A_137 = arith.cmpi eq, %iota3A, %eq3A_136 : vector<16xi32>
    %jit3A_138 = arith.constant 0 : i32
    %broadcast_in_dim3A_139 = vector.broadcast %jit3A_138 : i32 to vector<16xi32>
    %select_n3A_140 = arith.select %eq3A_137, %masked_sort3A_124, %broadcast_in_dim3A_139 : vector<16xi1>, vector<16xi32>
    %reduce_sum3A_141 = arith.constant true
    %reduce_sum3A_142 = vector.broadcast %reduce_sum3A_141 : i1 to vector<16xi1>
    %reduce_sum3A_143 = tpu.scan <sum>, %select_n3A_140 masked %reduce_sum3A_142 : vector<16xi32>, vector<16xi1> -> vector<16xi32>
    %reduce_sum3A_144 = vector.extract %reduce_sum3A_143[15] : i32 from vector<16xi32>
    %max3A_145 = arith.constant 0 : i32
    %max3A_146 = arith.maxsi %reduce_sum3A_134, %max3A_145 : i32
    %sub3A_147 = arith.subi %reduce_sum3A_144, %max3A_146 : i32
    %max3A_148 = arith.constant 0 : i32
    %max3A_149 = arith.maxsi %sub3A_147, %max3A_148 : i32
    %add3A_150 = arith.addi %max3A_146, %max3A_149 : i32
    %add3A_151 = arith.constant 0 : i32
    %add3A_152 = arith.addi %add3A_151, %max3A_149 : i32
    %sub3A_153 = arith.constant 0 : i32
    %sub3A_154 = arith.subi %max3A_146, %sub3A_153 : i32
    %max3A_155 = arith.constant 0 : i32
    %max3A_156 = arith.maxsi %max3A_155, %reduce_sum3A_144 : i32
    %add3A_157 = arith.constant 0 : i32
    %add3A_158 = arith.addi %add3A_157, %max3A_149 : i32
    %eq3A_159 = arith.constant 1 : i32
    %eq3A_160 = vector.broadcast %eq3A_159 : i32 to vector<16xi32>
    %eq3A_161 = arith.cmpi eq, %iota3A, %eq3A_160 : vector<16xi32>
    %jit3A_162 = arith.constant 0 : i32
    %broadcast_in_dim3A_163 = vector.broadcast %jit3A_162 : i32 to vector<16xi32>
    %select_n3A_164 = arith.select %eq3A_161, %masked_sort3A_125, %broadcast_in_dim3A_163 : vector<16xi1>, vector<16xi32>
    %reduce_sum3A_165 = arith.constant true
    %reduce_sum3A_166 = vector.broadcast %reduce_sum3A_165 : i1 to vector<16xi1>
    %reduce_sum3A_167 = tpu.scan <sum>, %select_n3A_164 masked %reduce_sum3A_166 : vector<16xi32>, vector<16xi1> -> vector<16xi32>
    %reduce_sum3A_168 = vector.extract %reduce_sum3A_167[15] : i32 from vector<16xi32>
    %eq3A_169 = arith.constant 1 : i32
    %eq3A_170 = vector.broadcast %eq3A_169 : i32 to vector<16xi32>
    %eq3A_171 = arith.cmpi eq, %iota3A, %eq3A_170 : vector<16xi32>
    %jit3A_172 = arith.constant 0 : i32
    %broadcast_in_dim3A_173 = vector.broadcast %jit3A_172 : i32 to vector<16xi32>
    %select_n3A_174 = arith.select %eq3A_171, %masked_sort3A_124, %broadcast_in_dim3A_173 : vector<16xi1>, vector<16xi32>
    %reduce_sum3A_175 = arith.constant true
    %reduce_sum3A_176 = vector.broadcast %reduce_sum3A_175 : i1 to vector<16xi1>
    %reduce_sum3A_177 = tpu.scan <sum>, %select_n3A_174 masked %reduce_sum3A_176 : vector<16xi32>, vector<16xi1> -> vector<16xi32>
    %reduce_sum3A_178 = vector.extract %reduce_sum3A_177[15] : i32 from vector<16xi32>
    %max3A_179 = arith.maxsi %reduce_sum3A_168, %max3A_156 : i32
    %sub3A_180 = arith.subi %reduce_sum3A_178, %max3A_179 : i32
    %max3A_181 = arith.constant 0 : i32
    %max3A_182 = arith.maxsi %sub3A_180, %max3A_181 : i32
    %add3A_183 = arith.addi %max3A_179, %max3A_182 : i32
    %add3A_184 = arith.addi %add3A_158, %max3A_182 : i32
    %sub3A_185 = arith.subi %max3A_179, %add3A_158 : i32
    %max3A_186 = arith.maxsi %max3A_156, %reduce_sum3A_178 : i32
    %add3A_187 = arith.addi %add3A_158, %max3A_182 : i32
    %eq3A_188 = arith.constant 2 : i32
    %eq3A_189 = vector.broadcast %eq3A_188 : i32 to vector<16xi32>
    %eq3A_190 = arith.cmpi eq, %iota3A, %eq3A_189 : vector<16xi32>
    %jit3A_191 = arith.constant 0 : i32
    %broadcast_in_dim3A_192 = vector.broadcast %jit3A_191 : i32 to vector<16xi32>
    %select_n3A_193 = arith.select %eq3A_190, %masked_sort3A_125, %broadcast_in_dim3A_192 : vector<16xi1>, vector<16xi32>
    %reduce_sum3A_194 = arith.constant true
    %reduce_sum3A_195 = vector.broadcast %reduce_sum3A_194 : i1 to vector<16xi1>
    %reduce_sum3A_196 = tpu.scan <sum>, %select_n3A_193 masked %reduce_sum3A_195 : vector<16xi32>, vector<16xi1> -> vector<16xi32>
    %reduce_sum3A_197 = vector.extract %reduce_sum3A_196[15] : i32 from vector<16xi32>
    %eq3A_198 = arith.constant 2 : i32
    %eq3A_199 = vector.broadcast %eq3A_198 : i32 to vector<16xi32>
    %eq3A_200 = arith.cmpi eq, %iota3A, %eq3A_199 : vector<16xi32>
    %jit3A_201 = arith.constant 0 : i32
    %broadcast_in_dim3A_202 = vector.broadcast %jit3A_201 : i32 to vector<16xi32>
    %select_n3A_203 = arith.select %eq3A_200, %masked_sort3A_124, %broadcast_in_dim3A_202 : vector<16xi1>, vector<16xi32>
    %reduce_sum3A_204 = arith.constant true
    %reduce_sum3A_205 = vector.broadcast %reduce_sum3A_204 : i1 to vector<16xi1>
    %reduce_sum3A_206 = tpu.scan <sum>, %select_n3A_203 masked %reduce_sum3A_205 : vector<16xi32>, vector<16xi1> -> vector<16xi32>
    %reduce_sum3A_207 = vector.extract %reduce_sum3A_206[15] : i32 from vector<16xi32>
    %max3A_208 = arith.maxsi %reduce_sum3A_197, %max3A_186 : i32
    %sub3A_209 = arith.subi %reduce_sum3A_207, %max3A_208 : i32
    %max3A_210 = arith.constant 0 : i32
    %max3A_211 = arith.maxsi %sub3A_209, %max3A_210 : i32
    %add3A_212 = arith.addi %max3A_208, %max3A_211 : i32
    %add3A_213 = arith.addi %add3A_187, %max3A_211 : i32
    %sub3A_214 = arith.subi %max3A_208, %add3A_187 : i32
    %max3A_215 = arith.maxsi %max3A_186, %reduce_sum3A_207 : i32
    %add3A_216 = arith.addi %add3A_187, %max3A_211 : i32
    %eq3A_217 = arith.constant 3 : i32
    %eq3A_218 = vector.broadcast %eq3A_217 : i32 to vector<16xi32>
    %eq3A_219 = arith.cmpi eq, %iota3A, %eq3A_218 : vector<16xi32>
    %jit3A_220 = arith.constant 0 : i32
    %broadcast_in_dim3A_221 = vector.broadcast %jit3A_220 : i32 to vector<16xi32>
    %select_n3A_222 = arith.select %eq3A_219, %masked_sort3A_125, %broadcast_in_dim3A_221 : vector<16xi1>, vector<16xi32>
    %reduce_sum3A_223 = arith.constant true
    %reduce_sum3A_224 = vector.broadcast %reduce_sum3A_223 : i1 to vector<16xi1>
    %reduce_sum3A_225 = tpu.scan <sum>, %select_n3A_222 masked %reduce_sum3A_224 : vector<16xi32>, vector<16xi1> -> vector<16xi32>
    %reduce_sum3A_226 = vector.extract %reduce_sum3A_225[15] : i32 from vector<16xi32>
    %eq3A_227 = arith.constant 3 : i32
    %eq3A_228 = vector.broadcast %eq3A_227 : i32 to vector<16xi32>
    %eq3A_229 = arith.cmpi eq, %iota3A, %eq3A_228 : vector<16xi32>
    %jit3A_230 = arith.constant 0 : i32
    %broadcast_in_dim3A_231 = vector.broadcast %jit3A_230 : i32 to vector<16xi32>
    %select_n3A_232 = arith.select %eq3A_229, %masked_sort3A_124, %broadcast_in_dim3A_231 : vector<16xi1>, vector<16xi32>
    %reduce_sum3A_233 = arith.constant true
    %reduce_sum3A_234 = vector.broadcast %reduce_sum3A_233 : i1 to vector<16xi1>
    %reduce_sum3A_235 = tpu.scan <sum>, %select_n3A_232 masked %reduce_sum3A_234 : vector<16xi32>, vector<16xi1> -> vector<16xi32>
    %reduce_sum3A_236 = vector.extract %reduce_sum3A_235[15] : i32 from vector<16xi32>
    %max3A_237 = arith.maxsi %reduce_sum3A_226, %max3A_215 : i32
    %sub3A_238 = arith.subi %reduce_sum3A_236, %max3A_237 : i32
    %max3A_239 = arith.constant 0 : i32
    %max3A_240 = arith.maxsi %sub3A_238, %max3A_239 : i32
    %add3A_241 = arith.addi %max3A_237, %max3A_240 : i32
    %add3A_242 = arith.addi %add3A_216, %max3A_240 : i32
    %sub3A_243 = arith.subi %max3A_237, %add3A_216 : i32
    %max3A_244 = arith.maxsi %max3A_215, %reduce_sum3A_236 : i32
    %add3A_245 = arith.addi %add3A_216, %max3A_240 : i32
    %scan3A = arith.constant 0 : i32
    %scan3A_246 = arith.constant 0 : i32
    %scan3A_247 = arith.constant 1 : i32
    %scan3A_248 = arith.constant 0 : i32
    %scan3A_249 = arith.constant 0 : i32
    %scan3A_250 = arith.constant 128 : i32
    %scan3A_251 = arith.addi %scan3A_249, %scan3A_250 : i32
    %scan3A_252 = arith.constant 4 : i32
    scf.for %scan3A_254 = %scan3A_249 to %scan3A_251 step %scan3A_252  : i32 {
      %mul3A_255 = arith.constant 16 : i32
      %mul3A_256 = arith.muli %scan3A_254, %mul3A_255 : i32
      %add3A_257 = arith.addi %mul3A_32, %mul3A_256 : i32
      %add3A_258 = vector.broadcast %add3A_257 : i32 to vector<16xi32>
      %add3A_259 = arith.addi %add3A_258, %iota3A : vector<16xi32>
      %ge3A_260 = vector.broadcast %max3A_146 : i32 to vector<16xi32>
      %ge3A_261 = arith.cmpi sge, %add3A_259, %ge3A_260 : vector<16xi32>
      %lt3A_262 = vector.broadcast %add3A_150 : i32 to vector<16xi32>
      %lt3A_263 = arith.cmpi slt, %add3A_259, %lt3A_262 : vector<16xi32>
      %and3A_264 = arith.andi %ge3A_261, %lt3A_263 : vector<16xi1>
      %broadcast_in_dim3A_265 = arith.constant 4096 : i32
      %broadcast_in_dim3A_266 = vector.broadcast %broadcast_in_dim3A_265 : i32 to vector<16xi32>
      %ge3A_267 = vector.broadcast %max3A_146 : i32 to vector<16xi32>
      %ge3A_268 = arith.cmpi sge, %add3A_259, %ge3A_267 : vector<16xi32>
      %lt3A_269 = vector.broadcast %add3A_150 : i32 to vector<16xi32>
      %lt3A_270 = arith.cmpi slt, %add3A_259, %lt3A_269 : vector<16xi32>
      %and3A_271 = arith.andi %ge3A_268, %lt3A_270 : vector<16xi1>
      %or3A = arith.ori %and3A_264, %and3A_271 : vector<16xi1>
      %ge3A_272 = vector.broadcast %scan3A_246 : i32 to vector<16xi32>
      %ge3A_273 = arith.cmpi sge, %add3A_259, %ge3A_272 : vector<16xi32>
      %lt3A_274 = vector.broadcast %add3A_152 : i32 to vector<16xi32>
      %lt3A_275 = arith.cmpi slt, %add3A_259, %lt3A_274 : vector<16xi32>
      %and3A_276 = arith.andi %ge3A_273, %lt3A_275 : vector<16xi1>
      %add3A_277 = vector.broadcast %sub3A_154 : i32 to vector<16xi32>
      %add3A_278 = arith.addi %add3A_259, %add3A_277 : vector<16xi32>
      %select_n3A_279 = arith.select %and3A_276, %add3A_278, %broadcast_in_dim3A_266 : vector<16xi1>, vector<16xi32>
      %ge3A_280 = vector.broadcast %max3A_179 : i32 to vector<16xi32>
      %ge3A_281 = arith.cmpi sge, %add3A_259, %ge3A_280 : vector<16xi32>
      %lt3A_282 = vector.broadcast %add3A_183 : i32 to vector<16xi32>
      %lt3A_283 = arith.cmpi slt, %add3A_259, %lt3A_282 : vector<16xi32>
      %and3A_284 = arith.andi %ge3A_281, %lt3A_283 : vector<16xi1>
      %or3A_285 = arith.ori %or3A, %and3A_284 : vector<16xi1>
      %ge3A_286 = vector.broadcast %add3A_158 : i32 to vector<16xi32>
      %ge3A_287 = arith.cmpi sge, %add3A_259, %ge3A_286 : vector<16xi32>
      %lt3A_288 = vector.broadcast %add3A_184 : i32 to vector<16xi32>
      %lt3A_289 = arith.cmpi slt, %add3A_259, %lt3A_288 : vector<16xi32>
      %and3A_290 = arith.andi %ge3A_287, %lt3A_289 : vector<16xi1>
      %add3A_291 = vector.broadcast %sub3A_185 : i32 to vector<16xi32>
      %add3A_292 = arith.addi %add3A_259, %add3A_291 : vector<16xi32>
      %select_n3A_293 = arith.select %and3A_290, %add3A_292, %select_n3A_279 : vector<16xi1>, vector<16xi32>
      %ge3A_294 = vector.broadcast %max3A_208 : i32 to vector<16xi32>
      %ge3A_295 = arith.cmpi sge, %add3A_259, %ge3A_294 : vector<16xi32>
      %lt3A_296 = vector.broadcast %add3A_212 : i32 to vector<16xi32>
      %lt3A_297 = arith.cmpi slt, %add3A_259, %lt3A_296 : vector<16xi32>
      %and3A_298 = arith.andi %ge3A_295, %lt3A_297 : vector<16xi1>
      %or3A_299 = arith.ori %or3A_285, %and3A_298 : vector<16xi1>
      %ge3A_300 = vector.broadcast %add3A_187 : i32 to vector<16xi32>
      %ge3A_301 = arith.cmpi sge, %add3A_259, %ge3A_300 : vector<16xi32>
      %lt3A_302 = vector.broadcast %add3A_213 : i32 to vector<16xi32>
      %lt3A_303 = arith.cmpi slt, %add3A_259, %lt3A_302 : vector<16xi32>
      %and3A_304 = arith.andi %ge3A_301, %lt3A_303 : vector<16xi1>
      %add3A_305 = vector.broadcast %sub3A_214 : i32 to vector<16xi32>
      %add3A_306 = arith.addi %add3A_259, %add3A_305 : vector<16xi32>
      %select_n3A_307 = arith.select %and3A_304, %add3A_306, %select_n3A_293 : vector<16xi1>, vector<16xi32>
      %ge3A_308 = vector.broadcast %max3A_237 : i32 to vector<16xi32>
      %ge3A_309 = arith.cmpi sge, %add3A_259, %ge3A_308 : vector<16xi32>
      %lt3A_310 = vector.broadcast %add3A_241 : i32 to vector<16xi32>
      %lt3A_311 = arith.cmpi slt, %add3A_259, %lt3A_310 : vector<16xi32>
      %and3A_312 = arith.andi %ge3A_309, %lt3A_311 : vector<16xi1>
      %or3A_313 = arith.ori %or3A_299, %and3A_312 : vector<16xi1>
      %ge3A_314 = vector.broadcast %add3A_216 : i32 to vector<16xi32>
      %ge3A_315 = arith.cmpi sge, %add3A_259, %ge3A_314 : vector<16xi32>
      %lt3A_316 = vector.broadcast %add3A_242 : i32 to vector<16xi32>
      %lt3A_317 = arith.cmpi slt, %add3A_259, %lt3A_316 : vector<16xi32>
      %and3A_318 = arith.andi %ge3A_315, %lt3A_317 : vector<16xi1>
      %add3A_319 = vector.broadcast %sub3A_243 : i32 to vector<16xi32>
      %add3A_320 = arith.addi %add3A_259, %add3A_319 : vector<16xi32>
      %select_n3A_321 = arith.select %and3A_318, %add3A_320, %select_n3A_307 : vector<16xi1>, vector<16xi32>
      %broadcast_in_dim3A_322 = vector.broadcast %scan3A_247 : i32 to vector<16xi32>
      %broadcast_in_dim3A_323 = vector.broadcast %scan3A_248 : i32 to vector<16xi32>
      %select_n3A_324 = arith.select %or3A_313, %broadcast_in_dim3A_322, %broadcast_in_dim3A_323 : vector<16xi1>, vector<16xi32>
      %mul3A_325 = arith.constant 16 : i32
      %mul3A_326 = arith.muli %scan3A_254, %mul3A_325 : i32
      %swap3A = arith.index_cast %mul3A_326 : i32 to index
      %swap3A_327 = tpu.vector_load %arg14[%swap3A] {strides = array<i32>} : memref<2048xi32, #tpu.memory_space<vmem>>, vector<16xi32>,
      tpu.vector_store %arg14[%swap3A], %select_n3A_324 {strides = array<i32>} : memref<2048xi32, #tpu.memory_space<vmem>>, vector<16xi32>,
      %broadcast_in_dim3A_328 = vector.broadcast %scan3A_248 : i32 to vector<16xi32>
      %broadcast_in_dim3A_329 = vector.broadcast %scan3A_247 : i32 to vector<16xi32>
      %select_n3A_330 = arith.select %or3A_313, %broadcast_in_dim3A_328, %broadcast_in_dim3A_329 : vector<16xi1>, vector<16xi32>
      %mul3A_331 = arith.constant 16 : i32
      %mul3A_332 = arith.muli %scan3A_254, %mul3A_331 : i32
      %swap3A_333 = arith.index_cast %mul3A_332 : i32 to index
      %swap3A_334 = tpu.vector_load %arg15[%swap3A_333] {strides = array<i32>} : memref<2048xi32, #tpu.memory_space<vmem>>, vector<16xi32>,
      tpu.vector_store %arg15[%swap3A_333], %select_n3A_330 {strides = array<i32>} : memref<2048xi32, #tpu.memory_space<vmem>>, vector<16xi32>,
      %mul3A_335 = arith.constant 16 : i32
      %mul3A_336 = arith.muli %scan3A_254, %mul3A_335 : i32
      %swap3A_337 = arith.index_cast %mul3A_336 : i32 to index
      %swap3A_338 = tpu.vector_load %arg13[%swap3A_337] {strides = array<i32>} : memref<2048xi32, #tpu.memory_space<vmem>>, vector<16xi32>,
      tpu.vector_store %arg13[%swap3A_337], %select_n3A_321 {strides = array<i32>} : memref<2048xi32, #tpu.memory_space<vmem>>, vector<16xi32>,
      %scan3A_339 = arith.constant 1 : i32
      %scan3A_340 = arith.addi %scan3A_254, %scan3A_339 : i32
      %mul3A_341 = arith.constant 16 : i32
      %mul3A_342 = arith.muli %scan3A_340, %mul3A_341 : i32
      %add3A_343 = arith.addi %mul3A_32, %mul3A_342 : i32
      %add3A_344 = vector.broadcast %add3A_343 : i32 to vector<16xi32>
      %add3A_345 = arith.addi %add3A_344, %iota3A : vector<16xi32>
      %ge3A_346 = vector.broadcast %max3A_146 : i32 to vector<16xi32>
      %ge3A_347 = arith.cmpi sge, %add3A_345, %ge3A_346 : vector<16xi32>
      %lt3A_348 = vector.broadcast %add3A_150 : i32 to vector<16xi32>
      %lt3A_349 = arith.cmpi slt, %add3A_345, %lt3A_348 : vector<16xi32>
      %and3A_350 = arith.andi %ge3A_347, %lt3A_349 : vector<16xi1>
      %broadcast_in_dim3A_351 = arith.constant 4096 : i32
      %broadcast_in_dim3A_352 = vector.broadcast %broadcast_in_dim3A_351 : i32 to vector<16xi32>
      %ge3A_353 = vector.broadcast %max3A_146 : i32 to vector<16xi32>
      %ge3A_354 = arith.cmpi sge, %add3A_345, %ge3A_353 : vector<16xi32>
      %lt3A_355 = vector.broadcast %add3A_150 : i32 to vector<16xi32>
      %lt3A_356 = arith.cmpi slt, %add3A_345, %lt3A_355 : vector<16xi32>
      %and3A_357 = arith.andi %ge3A_354, %lt3A_356 : vector<16xi1>
      %or3A_358 = arith.ori %and3A_350, %and3A_357 : vector<16xi1>
      %ge3A_359 = vector.broadcast %scan3A_246 : i32 to vector<16xi32>
      %ge3A_360 = arith.cmpi sge, %add3A_345, %ge3A_359 : vector<16xi32>
      %lt3A_361 = vector.broadcast %add3A_152 : i32 to vector<16xi32>
      %lt3A_362 = arith.cmpi slt, %add3A_345, %lt3A_361 : vector<16xi32>
      %and3A_363 = arith.andi %ge3A_360, %lt3A_362 : vector<16xi1>
      %add3A_364 = vector.broadcast %sub3A_154 : i32 to vector<16xi32>
      %add3A_365 = arith.addi %add3A_345, %add3A_364 : vector<16xi32>
      %select_n3A_366 = arith.select %and3A_363, %add3A_365, %broadcast_in_dim3A_352 : vector<16xi1>, vector<16xi32>
      %ge3A_367 = vector.broadcast %max3A_179 : i32 to vector<16xi32>
      %ge3A_368 = arith.cmpi sge, %add3A_345, %ge3A_367 : vector<16xi32>
      %lt3A_369 = vector.broadcast %add3A_183 : i32 to vector<16xi32>
      %lt3A_370 = arith.cmpi slt, %add3A_345, %lt3A_369 : vector<16xi32>
      %and3A_371 = arith.andi %ge3A_368, %lt3A_370 : vector<16xi1>
      %or3A_372 = arith.ori %or3A_358, %and3A_371 : vector<16xi1>
      %ge3A_373 = vector.broadcast %add3A_158 : i32 to vector<16xi32>
      %ge3A_374 = arith.cmpi sge, %add3A_345, %ge3A_373 : vector<16xi32>
      %lt3A_375 = vector.broadcast %add3A_184 : i32 to vector<16xi32>
      %lt3A_376 = arith.cmpi slt, %add3A_345, %lt3A_375 : vector<16xi32>
      %and3A_377 = arith.andi %ge3A_374, %lt3A_376 : vector<16xi1>
      %add3A_378 = vector.broadcast %sub3A_185 : i32 to vector<16xi32>
      %add3A_379 = arith.addi %add3A_345, %add3A_378 : vector<16xi32>
      %select_n3A_380 = arith.select %and3A_377, %add3A_379, %select_n3A_366 : vector<16xi1>, vector<16xi32>
      %ge3A_381 = vector.broadcast %max3A_208 : i32 to vector<16xi32>
      %ge3A_382 = arith.cmpi sge, %add3A_345, %ge3A_381 : vector<16xi32>
      %lt3A_383 = vector.broadcast %add3A_212 : i32 to vector<16xi32>
      %lt3A_384 = arith.cmpi slt, %add3A_345, %lt3A_383 : vector<16xi32>
      %and3A_385 = arith.andi %ge3A_382, %lt3A_384 : vector<16xi1>
      %or3A_386 = arith.ori %or3A_372, %and3A_385 : vector<16xi1>
      %ge3A_387 = vector.broadcast %add3A_187 : i32 to vector<16xi32>
      %ge3A_388 = arith.cmpi sge, %add3A_345, %ge3A_387 : vector<16xi32>
      %lt3A_389 = vector.broadcast %add3A_213 : i32 to vector<16xi32>
      %lt3A_390 = arith.cmpi slt, %add3A_345, %lt3A_389 : vector<16xi32>
      %and3A_391 = arith.andi %ge3A_388, %lt3A_390 : vector<16xi1>
      %add3A_392 = vector.broadcast %sub3A_214 : i32 to vector<16xi32>
      %add3A_393 = arith.addi %add3A_345, %add3A_392 : vector<16xi32>
      %select_n3A_394 = arith.select %and3A_391, %add3A_393, %select_n3A_380 : vector<16xi1>, vector<16xi32>
      %ge3A_395 = vector.broadcast %max3A_237 : i32 to vector<16xi32>
      %ge3A_396 = arith.cmpi sge, %add3A_345, %ge3A_395 : vector<16xi32>
      %lt3A_397 = vector.broadcast %add3A_241 : i32 to vector<16xi32>
      %lt3A_398 = arith.cmpi slt, %add3A_345, %lt3A_397 : vector<16xi32>
      %and3A_399 = arith.andi %ge3A_396, %lt3A_398 : vector<16xi1>
      %or3A_400 = arith.ori %or3A_386, %and3A_399 : vector<16xi1>
      %ge3A_401 = vector.broadcast %add3A_216 : i32 to vector<16xi32>
      %ge3A_402 = arith.cmpi sge, %add3A_345, %ge3A_401 : vector<16xi32>
      %lt3A_403 = vector.broadcast %add3A_242 : i32 to vector<16xi32>
      %lt3A_404 = arith.cmpi slt, %add3A_345, %lt3A_403 : vector<16xi32>
      %and3A_405 = arith.andi %ge3A_402, %lt3A_404 : vector<16xi1>
      %add3A_406 = vector.broadcast %sub3A_243 : i32 to vector<16xi32>
      %add3A_407 = arith.addi %add3A_345, %add3A_406 : vector<16xi32>
      %select_n3A_408 = arith.select %and3A_405, %add3A_407, %select_n3A_394 : vector<16xi1>, vector<16xi32>
      %broadcast_in_dim3A_409 = vector.broadcast %scan3A_247 : i32 to vector<16xi32>
      %broadcast_in_dim3A_410 = vector.broadcast %scan3A_248 : i32 to vector<16xi32>
      %select_n3A_411 = arith.select %or3A_400, %broadcast_in_dim3A_409, %broadcast_in_dim3A_410 : vector<16xi1>, vector<16xi32>
      %mul3A_412 = arith.constant 16 : i32
      %mul3A_413 = arith.muli %scan3A_340, %mul3A_412 : i32
      %swap3A_414 = arith.index_cast %mul3A_413 : i32 to index
      %swap3A_415 = tpu.vector_load %arg14[%swap3A_414] {strides = array<i32>} : memref<2048xi32, #tpu.memory_space<vmem>>, vector<16xi32>,
      tpu.vector_store %arg14[%swap3A_414], %select_n3A_411 {strides = array<i32>} : memref<2048xi32, #tpu.memory_space<vmem>>, vector<16xi32>,
      %broadcast_in_dim3A_416 = vector.broadcast %scan3A_248 : i32 to vector<16xi32>
      %broadcast_in_dim3A_417 = vector.broadcast %scan3A_247 : i32 to vector<16xi32>
      %select_n3A_418 = arith.select %or3A_400, %broadcast_in_dim3A_416, %broadcast_in_dim3A_417 : vector<16xi1>, vector<16xi32>
      %mul3A_419 = arith.constant 16 : i32
      %mul3A_420 = arith.muli %scan3A_340, %mul3A_419 : i32
      %swap3A_421 = arith.index_cast %mul3A_420 : i32 to index
      %swap3A_422 = tpu.vector_load %arg15[%swap3A_421] {strides = array<i32>} : memref<2048xi32, #tpu.memory_space<vmem>>, vector<16xi32>,
      tpu.vector_store %arg15[%swap3A_421], %select_n3A_418 {strides = array<i32>} : memref<2048xi32, #tpu.memory_space<vmem>>, vector<16xi32>,
      %mul3A_423 = arith.constant 16 : i32
      %mul3A_424 = arith.muli %scan3A_340, %mul3A_423 : i32
      %swap3A_425 = arith.index_cast %mul3A_424 : i32 to index
      %swap3A_426 = tpu.vector_load %arg13[%swap3A_425] {strides = array<i32>} : memref<2048xi32, #tpu.memory_space<vmem>>, vector<16xi32>,
      tpu.vector_store %arg13[%swap3A_425], %select_n3A_408 {strides = array<i32>} : memref<2048xi32, #tpu.memory_space<vmem>>, vector<16xi32>,
      %scan3A_427 = arith.constant 2 : i32
      %scan3A_428 = arith.addi %scan3A_254, %scan3A_427 : i32
      %mul3A_429 = arith.constant 16 : i32
      %mul3A_430 = arith.muli %scan3A_428, %mul3A_429 : i32
      %add3A_431 = arith.addi %mul3A_32, %mul3A_430 : i32
      %add3A_432 = vector.broadcast %add3A_431 : i32 to vector<16xi32>
      %add3A_433 = arith.addi %add3A_432, %iota3A : vector<16xi32>
      %ge3A_434 = vector.broadcast %max3A_146 : i32 to vector<16xi32>
      %ge3A_435 = arith.cmpi sge, %add3A_433, %ge3A_434 : vector<16xi32>
      %lt3A_436 = vector.broadcast %add3A_150 : i32 to vector<16xi32>
      %lt3A_437 = arith.cmpi slt, %add3A_433, %lt3A_436 : vector<16xi32>
      %and3A_438 = arith.andi %ge3A_435, %lt3A_437 : vector<16xi1>
      %broadcast_in_dim3A_439 = arith.constant 4096 : i32
      %broadcast_in_dim3A_440 = vector.broadcast %broadcast_in_dim3A_439 : i32 to vector<16xi32>
      %ge3A_441 = vector.broadcast %max3A_146 : i32 to vector<16xi32>
      %ge3A_442 = arith.cmpi sge, %add3A_433, %ge3A_441 : vector<16xi32>
      %lt3A_443 = vector.broadcast %add3A_150 : i32 to vector<16xi32>
      %lt3A_444 = arith.cmpi slt, %add3A_433, %lt3A_443 : vector<16xi32>
      %and3A_445 = arith.andi %ge3A_442, %lt3A_444 : vector<16xi1>
      %or3A_446 = arith.ori %and3A_438, %and3A_445 : vector<16xi1>
      %ge3A_447 = vector.broadcast %scan3A_246 : i32 to vector<16xi32>
      %ge3A_448 = arith.cmpi sge, %add3A_433, %ge3A_447 : vector<16xi32>
      %lt3A_449 = vector.broadcast %add3A_152 : i32 to vector<16xi32>
      %lt3A_450 = arith.cmpi slt, %add3A_433, %lt3A_449 : vector<16xi32>
      %and3A_451 = arith.andi %ge3A_448, %lt3A_450 : vector<16xi1>
      %add3A_452 = vector.broadcast %sub3A_154 : i32 to vector<16xi32>
      %add3A_453 = arith.addi %add3A_433, %add3A_452 : vector<16xi32>
      %select_n3A_454 = arith.select %and3A_451, %add3A_453, %broadcast_in_dim3A_440 : vector<16xi1>, vector<16xi32>
      %ge3A_455 = vector.broadcast %max3A_179 : i32 to vector<16xi32>
      %ge3A_456 = arith.cmpi sge, %add3A_433, %ge3A_455 : vector<16xi32>
      %lt3A_457 = vector.broadcast %add3A_183 : i32 to vector<16xi32>
      %lt3A_458 = arith.cmpi slt, %add3A_433, %lt3A_457 : vector<16xi32>
      %and3A_459 = arith.andi %ge3A_456, %lt3A_458 : vector<16xi1>
      %or3A_460 = arith.ori %or3A_446, %and3A_459 : vector<16xi1>
      %ge3A_461 = vector.broadcast %add3A_158 : i32 to vector<16xi32>
      %ge3A_462 = arith.cmpi sge, %add3A_433, %ge3A_461 : vector<16xi32>
      %lt3A_463 = vector.broadcast %add3A_184 : i32 to vector<16xi32>
      %lt3A_464 = arith.cmpi slt, %add3A_433, %lt3A_463 : vector<16xi32>
      %and3A_465 = arith.andi %ge3A_462, %lt3A_464 : vector<16xi1>
      %add3A_466 = vector.broadcast %sub3A_185 : i32 to vector<16xi32>
      %add3A_467 = arith.addi %add3A_433, %add3A_466 : vector<16xi32>
      %select_n3A_468 = arith.select %and3A_465, %add3A_467, %select_n3A_454 : vector<16xi1>, vector<16xi32>
      %ge3A_469 = vector.broadcast %max3A_208 : i32 to vector<16xi32>
      %ge3A_470 = arith.cmpi sge, %add3A_433, %ge3A_469 : vector<16xi32>
      %lt3A_471 = vector.broadcast %add3A_212 : i32 to vector<16xi32>
      %lt3A_472 = arith.cmpi slt, %add3A_433, %lt3A_471 : vector<16xi32>
      %and3A_473 = arith.andi %ge3A_470, %lt3A_472 : vector<16xi1>
      %or3A_474 = arith.ori %or3A_460, %and3A_473 : vector<16xi1>
      %ge3A_475 = vector.broadcast %add3A_187 : i32 to vector<16xi32>
      %ge3A_476 = arith.cmpi sge, %add3A_433, %ge3A_475 : vector<16xi32>
      %lt3A_477 = vector.broadcast %add3A_213 : i32 to vector<16xi32>
      %lt3A_478 = arith.cmpi slt, %add3A_433, %lt3A_477 : vector<16xi32>
      %and3A_479 = arith.andi %ge3A_476, %lt3A_478 : vector<16xi1>
      %add3A_480 = vector.broadcast %sub3A_214 : i32 to vector<16xi32>
      %add3A_481 = arith.addi %add3A_433, %add3A_480 : vector<16xi32>
      %select_n3A_482 = arith.select %and3A_479, %add3A_481, %select_n3A_468 : vector<16xi1>, vector<16xi32>
      %ge3A_483 = vector.broadcast %max3A_237 : i32 to vector<16xi32>
      %ge3A_484 = arith.cmpi sge, %add3A_433, %ge3A_483 : vector<16xi32>
      %lt3A_485 = vector.broadcast %add3A_241 : i32 to vector<16xi32>
      %lt3A_486 = arith.cmpi slt, %add3A_433, %lt3A_485 : vector<16xi32>
      %and3A_487 = arith.andi %ge3A_484, %lt3A_486 : vector<16xi1>
      %or3A_488 = arith.ori %or3A_474, %and3A_487 : vector<16xi1>
      %ge3A_489 = vector.broadcast %add3A_216 : i32 to vector<16xi32>
      %ge3A_490 = arith.cmpi sge, %add3A_433, %ge3A_489 : vector<16xi32>
      %lt3A_491 = vector.broadcast %add3A_242 : i32 to vector<16xi32>
      %lt3A_492 = arith.cmpi slt, %add3A_433, %lt3A_491 : vector<16xi32>
      %and3A_493 = arith.andi %ge3A_490, %lt3A_492 : vector<16xi1>
      %add3A_494 = vector.broadcast %sub3A_243 : i32 to vector<16xi32>
      %add3A_495 = arith.addi %add3A_433, %add3A_494 : vector<16xi32>
      %select_n3A_496 = arith.select %and3A_493, %add3A_495, %select_n3A_482 : vector<16xi1>, vector<16xi32>
      %broadcast_in_dim3A_497 = vector.broadcast %scan3A_247 : i32 to vector<16xi32>
      %broadcast_in_dim3A_498 = vector.broadcast %scan3A_248 : i32 to vector<16xi32>
      %select_n3A_499 = arith.select %or3A_488, %broadcast_in_dim3A_497, %broadcast_in_dim3A_498 : vector<16xi1>, vector<16xi32>
      %mul3A_500 = arith.constant 16 : i32
      %mul3A_501 = arith.muli %scan3A_428, %mul3A_500 : i32
      %swap3A_502 = arith.index_cast %mul3A_501 : i32 to index
      %swap3A_503 = tpu.vector_load %arg14[%swap3A_502] {strides = array<i32>} : memref<2048xi32, #tpu.memory_space<vmem>>, vector<16xi32>,
      tpu.vector_store %arg14[%swap3A_502], %select_n3A_499 {strides = array<i32>} : memref<2048xi32, #tpu.memory_space<vmem>>, vector<16xi32>,
      %broadcast_in_dim3A_504 = vector.broadcast %scan3A_248 : i32 to vector<16xi32>
      %broadcast_in_dim3A_505 = vector.broadcast %scan3A_247 : i32 to vector<16xi32>
      %select_n3A_506 = arith.select %or3A_488, %broadcast_in_dim3A_504, %broadcast_in_dim3A_505 : vector<16xi1>, vector<16xi32>
      %mul3A_507 = arith.constant 16 : i32
      %mul3A_508 = arith.muli %scan3A_428, %mul3A_507 : i32
      %swap3A_509 = arith.index_cast %mul3A_508 : i32 to index
      %swap3A_510 = tpu.vector_load %arg15[%swap3A_509] {strides = array<i32>} : memref<2048xi32, #tpu.memory_space<vmem>>, vector<16xi32>,
      tpu.vector_store %arg15[%swap3A_509], %select_n3A_506 {strides = array<i32>} : memref<2048xi32, #tpu.memory_space<vmem>>, vector<16xi32>,
      %mul3A_511 = arith.constant 16 : i32
      %mul3A_512 = arith.muli %scan3A_428, %mul3A_511 : i32
      %swap3A_513 = arith.index_cast %mul3A_512 : i32 to index
      %swap3A_514 = tpu.vector_load %arg13[%swap3A_513] {strides = array<i32>} : memref<2048xi32, #tpu.memory_space<vmem>>, vector<16xi32>,
      tpu.vector_store %arg13[%swap3A_513], %select_n3A_496 {strides = array<i32>} : memref<2048xi32, #tpu.memory_space<vmem>>, vector<16xi32>,
      %scan3A_515 = arith.constant 3 : i32
      %scan3A_516 = arith.addi %scan3A_254, %scan3A_515 : i32
      %mul3A_517 = arith.constant 16 : i32
      %mul3A_518 = arith.muli %scan3A_516, %mul3A_517 : i32
      %add3A_519 = arith.addi %mul3A_32, %mul3A_518 : i32
      %add3A_520 = vector.broadcast %add3A_519 : i32 to vector<16xi32>
      %add3A_521 = arith.addi %add3A_520, %iota3A : vector<16xi32>
      %ge3A_522 = vector.broadcast %max3A_146 : i32 to vector<16xi32>
      %ge3A_523 = arith.cmpi sge, %add3A_521, %ge3A_522 : vector<16xi32>
      %lt3A_524 = vector.broadcast %add3A_150 : i32 to vector<16xi32>
      %lt3A_525 = arith.cmpi slt, %add3A_521, %lt3A_524 : vector<16xi32>
      %and3A_526 = arith.andi %ge3A_523, %lt3A_525 : vector<16xi1>
      %broadcast_in_dim3A_527 = arith.constant 4096 : i32
      %broadcast_in_dim3A_528 = vector.broadcast %broadcast_in_dim3A_527 : i32 to vector<16xi32>
      %ge3A_529 = vector.broadcast %max3A_146 : i32 to vector<16xi32>
      %ge3A_530 = arith.cmpi sge, %add3A_521, %ge3A_529 : vector<16xi32>
      %lt3A_531 = vector.broadcast %add3A_150 : i32 to vector<16xi32>
      %lt3A_532 = arith.cmpi slt, %add3A_521, %lt3A_531 : vector<16xi32>
      %and3A_533 = arith.andi %ge3A_530, %lt3A_532 : vector<16xi1>
      %or3A_534 = arith.ori %and3A_526, %and3A_533 : vector<16xi1>
      %ge3A_535 = vector.broadcast %scan3A_246 : i32 to vector<16xi32>
      %ge3A_536 = arith.cmpi sge, %add3A_521, %ge3A_535 : vector<16xi32>
      %lt3A_537 = vector.broadcast %add3A_152 : i32 to vector<16xi32>
      %lt3A_538 = arith.cmpi slt, %add3A_521, %lt3A_537 : vector<16xi32>
      %and3A_539 = arith.andi %ge3A_536, %lt3A_538 : vector<16xi1>
      %add3A_540 = vector.broadcast %sub3A_154 : i32 to vector<16xi32>
      %add3A_541 = arith.addi %add3A_521, %add3A_540 : vector<16xi32>
      %select_n3A_542 = arith.select %and3A_539, %add3A_541, %broadcast_in_dim3A_528 : vector<16xi1>, vector<16xi32>
      %ge3A_543 = vector.broadcast %max3A_179 : i32 to vector<16xi32>
      %ge3A_544 = arith.cmpi sge, %add3A_521, %ge3A_543 : vector<16xi32>
      %lt3A_545 = vector.broadcast %add3A_183 : i32 to vector<16xi32>
      %lt3A_546 = arith.cmpi slt, %add3A_521, %lt3A_545 : vector<16xi32>
      %and3A_547 = arith.andi %ge3A_544, %lt3A_546 : vector<16xi1>
      %or3A_548 = arith.ori %or3A_534, %and3A_547 : vector<16xi1>
      %ge3A_549 = vector.broadcast %add3A_158 : i32 to vector<16xi32>
      %ge3A_550 = arith.cmpi sge, %add3A_521, %ge3A_549 : vector<16xi32>
      %lt3A_551 = vector.broadcast %add3A_184 : i32 to vector<16xi32>
      %lt3A_552 = arith.cmpi slt, %add3A_521, %lt3A_551 : vector<16xi32>
      %and3A_553 = arith.andi %ge3A_550, %lt3A_552 : vector<16xi1>
      %add3A_554 = vector.broadcast %sub3A_185 : i32 to vector<16xi32>
      %add3A_555 = arith.addi %add3A_521, %add3A_554 : vector<16xi32>
      %select_n3A_556 = arith.select %and3A_553, %add3A_555, %select_n3A_542 : vector<16xi1>, vector<16xi32>
      %ge3A_557 = vector.broadcast %max3A_208 : i32 to vector<16xi32>
      %ge3A_558 = arith.cmpi sge, %add3A_521, %ge3A_557 : vector<16xi32>
      %lt3A_559 = vector.broadcast %add3A_212 : i32 to vector<16xi32>
      %lt3A_560 = arith.cmpi slt, %add3A_521, %lt3A_559 : vector<16xi32>
      %and3A_561 = arith.andi %ge3A_558, %lt3A_560 : vector<16xi1>
      %or3A_562 = arith.ori %or3A_548, %and3A_561 : vector<16xi1>
      %ge3A_563 = vector.broadcast %add3A_187 : i32 to vector<16xi32>
      %ge3A_564 = arith.cmpi sge, %add3A_521, %ge3A_563 : vector<16xi32>
      %lt3A_565 = vector.broadcast %add3A_213 : i32 to vector<16xi32>
      %lt3A_566 = arith.cmpi slt, %add3A_521, %lt3A_565 : vector<16xi32>
      %and3A_567 = arith.andi %ge3A_564, %lt3A_566 : vector<16xi1>
      %add3A_568 = vector.broadcast %sub3A_214 : i32 to vector<16xi32>
      %add3A_569 = arith.addi %add3A_521, %add3A_568 : vector<16xi32>
      %select_n3A_570 = arith.select %and3A_567, %add3A_569, %select_n3A_556 : vector<16xi1>, vector<16xi32>
      %ge3A_571 = vector.broadcast %max3A_237 : i32 to vector<16xi32>
      %ge3A_572 = arith.cmpi sge, %add3A_521, %ge3A_571 : vector<16xi32>
      %lt3A_573 = vector.broadcast %add3A_241 : i32 to vector<16xi32>
      %lt3A_574 = arith.cmpi slt, %add3A_521, %lt3A_573 : vector<16xi32>
      %and3A_575 = arith.andi %ge3A_572, %lt3A_574 : vector<16xi1>
      %or3A_576 = arith.ori %or3A_562, %and3A_575 : vector<16xi1>
      %ge3A_577 = vector.broadcast %add3A_216 : i32 to vector<16xi32>
      %ge3A_578 = arith.cmpi sge, %add3A_521, %ge3A_577 : vector<16xi32>
      %lt3A_579 = vector.broadcast %add3A_242 : i32 to vector<16xi32>
      %lt3A_580 = arith.cmpi slt, %add3A_521, %lt3A_579 : vector<16xi32>
      %and3A_581 = arith.andi %ge3A_578, %lt3A_580 : vector<16xi1>
      %add3A_582 = vector.broadcast %sub3A_243 : i32 to vector<16xi32>
      %add3A_583 = arith.addi %add3A_521, %add3A_582 : vector<16xi32>
      %select_n3A_584 = arith.select %and3A_581, %add3A_583, %select_n3A_570 : vector<16xi1>, vector<16xi32>
      %broadcast_in_dim3A_585 = vector.broadcast %scan3A_247 : i32 to vector<16xi32>
      %broadcast_in_dim3A_586 = vector.broadcast %scan3A_248 : i32 to vector<16xi32>
      %select_n3A_587 = arith.select %or3A_576, %broadcast_in_dim3A_585, %broadcast_in_dim3A_586 : vector<16xi1>, vector<16xi32>
      %mul3A_588 = arith.constant 16 : i32
      %mul3A_589 = arith.muli %scan3A_516, %mul3A_588 : i32
      %swap3A_590 = arith.index_cast %mul3A_589 : i32 to index
      %swap3A_591 = tpu.vector_load %arg14[%swap3A_590] {strides = array<i32>} : memref<2048xi32, #tpu.memory_space<vmem>>, vector<16xi32>,
      tpu.vector_store %arg14[%swap3A_590], %select_n3A_587 {strides = array<i32>} : memref<2048xi32, #tpu.memory_space<vmem>>, vector<16xi32>,
      %broadcast_in_dim3A_592 = vector.broadcast %scan3A_248 : i32 to vector<16xi32>
      %broadcast_in_dim3A_593 = vector.broadcast %scan3A_247 : i32 to vector<16xi32>
      %select_n3A_594 = arith.select %or3A_576, %broadcast_in_dim3A_592, %broadcast_in_dim3A_593 : vector<16xi1>, vector<16xi32>
      %mul3A_595 = arith.constant 16 : i32
      %mul3A_596 = arith.muli %scan3A_516, %mul3A_595 : i32
      %swap3A_597 = arith.index_cast %mul3A_596 : i32 to index
      %swap3A_598 = tpu.vector_load %arg15[%swap3A_597] {strides = array<i32>} : memref<2048xi32, #tpu.memory_space<vmem>>, vector<16xi32>,
      tpu.vector_store %arg15[%swap3A_597], %select_n3A_594 {strides = array<i32>} : memref<2048xi32, #tpu.memory_space<vmem>>, vector<16xi32>,
      %mul3A_599 = arith.constant 16 : i32
      %mul3A_600 = arith.muli %scan3A_516, %mul3A_599 : i32
      %swap3A_601 = arith.index_cast %mul3A_600 : i32 to index
      %swap3A_602 = tpu.vector_load %arg13[%swap3A_601] {strides = array<i32>} : memref<2048xi32, #tpu.memory_space<vmem>>, vector<16xi32>,
      tpu.vector_store %arg13[%swap3A_601], %select_n3A_584 {strides = array<i32>} : memref<2048xi32, #tpu.memory_space<vmem>>, vector<16xi32>,
    }
    %scan3A_253 = arith.constant 128 : i32
    "tpu.region"() ({
      %run_scoped3A = tpu.sem_alloc : memref<!tpu.dma_semaphore, #tpu.memory_space<semaphore_mem>>
      %dma_start3A = tpu.memref_slice %arg6[%select_n3A, %mul3A_32] : memref<16x4096xi32, #tpu.memory_space<hbm>> -> memref<1x2048xi32, #tpu.memory_space<hbm>>
      %dma_start3A_254 = tpu.memref_squeeze %dma_start3A : memref<1x2048xi32, #tpu.memory_space<hbm>> -> memref<2048xi32, #tpu.memory_space<hbm>>
      %dma_start3A_255 = tpu.memref_slice %arg6[%select_n3A, %mul3A_32] : memref<16x4096xi32, #tpu.memory_space<hbm>> -> memref<1x2048xi32, #tpu.memory_space<hbm>>
      %dma_start3A_256 = tpu.memref_squeeze %dma_start3A_255 : memref<1x2048xi32, #tpu.memory_space<hbm>> -> memref<2048xi32, #tpu.memory_space<hbm>>
      tpu.enqueue_dma source(%arg13 : memref<2048xi32, #tpu.memory_space<vmem>>) target(%dma_start3A_256 : memref<2048xi32, #tpu.memory_space<hbm>>) target_semaphore(%run_scoped3A : memref<!tpu.dma_semaphore, #tpu.memory_space<semaphore_mem>>)
      %dma_wait3A = tpu.memref_slice %arg6[%select_n3A, %mul3A_32] : memref<16x4096xi32, #tpu.memory_space<hbm>> -> memref<1x2048xi32, #tpu.memory_space<hbm>>
      %dma_wait3A_257 = tpu.memref_squeeze %dma_wait3A : memref<1x2048xi32, #tpu.memory_space<hbm>> -> memref<2048xi32, #tpu.memory_space<hbm>>
      %dma_wait3A_258 = tpu.memref_slice %arg6[%select_n3A, %mul3A_32] : memref<16x4096xi32, #tpu.memory_space<hbm>> -> memref<1x2048xi32, #tpu.memory_space<hbm>>
      %dma_wait3A_259 = tpu.memref_squeeze %dma_wait3A_258 : memref<1x2048xi32, #tpu.memory_space<hbm>> -> memref<2048xi32, #tpu.memory_space<hbm>>
      tpu.wait_dma2 semaphore(%run_scoped3A : memref<!tpu.dma_semaphore, #tpu.memory_space<semaphore_mem>>) src(%arg13 : memref<2048xi32, #tpu.memory_space<vmem>>) dst(%dma_wait3A_259 : memref<2048xi32, #tpu.memory_space<hbm>>)
      tpu.yield
    }) : () -> ()
    "tpu.region"() ({
      %run_scoped3A = tpu.sem_alloc : memref<!tpu.dma_semaphore, #tpu.memory_space<semaphore_mem>>
      %dma_start3A = tpu.memref_slice %arg7[%select_n3A, %mul3A_32] : memref<16x4096xi32, #tpu.memory_space<hbm>> -> memref<1x2048xi32, #tpu.memory_space<hbm>>
      %dma_start3A_254 = tpu.memref_squeeze %dma_start3A : memref<1x2048xi32, #tpu.memory_space<hbm>> -> memref<2048xi32, #tpu.memory_space<hbm>>
      %dma_start3A_255 = tpu.memref_slice %arg7[%select_n3A, %mul3A_32] : memref<16x4096xi32, #tpu.memory_space<hbm>> -> memref<1x2048xi32, #tpu.memory_space<hbm>>
      %dma_start3A_256 = tpu.memref_squeeze %dma_start3A_255 : memref<1x2048xi32, #tpu.memory_space<hbm>> -> memref<2048xi32, #tpu.memory_space<hbm>>
      tpu.enqueue_dma source(%arg14 : memref<2048xi32, #tpu.memory_space<vmem>>) target(%dma_start3A_256 : memref<2048xi32, #tpu.memory_space<hbm>>) target_semaphore(%run_scoped3A : memref<!tpu.dma_semaphore, #tpu.memory_space<semaphore_mem>>)
      %dma_wait3A = tpu.memref_slice %arg7[%select_n3A, %mul3A_32] : memref<16x4096xi32, #tpu.memory_space<hbm>> -> memref<1x2048xi32, #tpu.memory_space<hbm>>
      %dma_wait3A_257 = tpu.memref_squeeze %dma_wait3A : memref<1x2048xi32, #tpu.memory_space<hbm>> -> memref<2048xi32, #tpu.memory_space<hbm>>
      %dma_wait3A_258 = tpu.memref_slice %arg7[%select_n3A, %mul3A_32] : memref<16x4096xi32, #tpu.memory_space<hbm>> -> memref<1x2048xi32, #tpu.memory_space<hbm>>
      %dma_wait3A_259 = tpu.memref_squeeze %dma_wait3A_258 : memref<1x2048xi32, #tpu.memory_space<hbm>> -> memref<2048xi32, #tpu.memory_space<hbm>>
      tpu.wait_dma2 semaphore(%run_scoped3A : memref<!tpu.dma_semaphore, #tpu.memory_space<semaphore_mem>>) src(%arg14 : memref<2048xi32, #tpu.memory_space<vmem>>) dst(%dma_wait3A_259 : memref<2048xi32, #tpu.memory_space<hbm>>)
      tpu.yield
    }) : () -> ()
    "tpu.region"() ({
      %run_scoped3A = tpu.sem_alloc : memref<!tpu.dma_semaphore, #tpu.memory_space<semaphore_mem>>
      %dma_start3A = tpu.memref_slice %arg8[%select_n3A, %mul3A_32] : memref<16x4096xi32, #tpu.memory_space<hbm>> -> memref<1x2048xi32, #tpu.memory_space<hbm>>
      %dma_start3A_254 = tpu.memref_squeeze %dma_start3A : memref<1x2048xi32, #tpu.memory_space<hbm>> -> memref<2048xi32, #tpu.memory_space<hbm>>
      %dma_start3A_255 = tpu.memref_slice %arg8[%select_n3A, %mul3A_32] : memref<16x4096xi32, #tpu.memory_space<hbm>> -> memref<1x2048xi32, #tpu.memory_space<hbm>>
      %dma_start3A_256 = tpu.memref_squeeze %dma_start3A_255 : memref<1x2048xi32, #tpu.memory_space<hbm>> -> memref<2048xi32, #tpu.memory_space<hbm>>
      tpu.enqueue_dma source(%arg15 : memref<2048xi32, #tpu.memory_space<vmem>>) target(%dma_start3A_256 : memref<2048xi32, #tpu.memory_space<hbm>>) target_semaphore(%run_scoped3A : memref<!tpu.dma_semaphore, #tpu.memory_space<semaphore_mem>>)
      %dma_wait3A = tpu.memref_slice %arg8[%select_n3A, %mul3A_32] : memref<16x4096xi32, #tpu.memory_space<hbm>> -> memref<1x2048xi32, #tpu.memory_space<hbm>>
      %dma_wait3A_257 = tpu.memref_squeeze %dma_wait3A : memref<1x2048xi32, #tpu.memory_space<hbm>> -> memref<2048xi32, #tpu.memory_space<hbm>>
      %dma_wait3A_258 = tpu.memref_slice %arg8[%select_n3A, %mul3A_32] : memref<16x4096xi32, #tpu.memory_space<hbm>> -> memref<1x2048xi32, #tpu.memory_space<hbm>>
      %dma_wait3A_259 = tpu.memref_squeeze %dma_wait3A_258 : memref<1x2048xi32, #tpu.memory_space<hbm>> -> memref<2048xi32, #tpu.memory_space<hbm>>
      tpu.wait_dma2 semaphore(%run_scoped3A : memref<!tpu.dma_semaphore, #tpu.memory_space<semaphore_mem>>) src(%arg15 : memref<2048xi32, #tpu.memory_space<vmem>>) dst(%dma_wait3A_259 : memref<2048xi32, #tpu.memory_space<hbm>>)
      tpu.yield
    }) : () -> ()
    return
  }
}

</mosaic_0001>

<sc_bundles>
// kernel: kernel.3.cloned.1.call-start
scs
__scs_entry_jumppad:
0x0: {  	(pc) =	sbr.rel $0x88, $3  }
0x1: {  	(tag) =	ssettag $0x0;
	lr =	simm.s32 $0x1  }
0x2: {  	[smem:$0x3F9D] =	sst lr;
	_ =	strace $0xD0000000  }
0x3: {  	_ = 	snop  }
0x4: {  	_ = 	snop  }
0x5: {  	_ = 	snop  }
0x6: {  	_ = 	snop  }
0x7: {  	_ = 	snop  }
__scs_overlays_trampoline_lowered:
0x8: {  	[smem:$0x3FAC] =	sst s0  }
0x9: {  	[smem:$0x3FAD] =	sst s1  }
0xa: {  	[smem:$0x3FAE] =	sst s2  }
0xb: {  	[smem:$0x3FAF] =	sst s3  }
0xc: {  	[smem:$0x3FB0] =	sst s4  }
0xd: {  	[smem:$0x3FB1] =	sst s5  }
0xe: {  	[smem:$0x3FB2] =	sst s6  }
0xf: {  	[smem:$0x3FB3] =	sst s7  }
0x10: {  	[smem:$0x3FB4] =	sst s8  }
0x11: {  	[smem:$0x3FB5] =	sst s9;
	s0 =	simm.s32 @!p0 $0x0  }
0x12: {  	s1 =	sld [smem:$0x3F9B];
	s0 =	simm.s32 @p0 $0x1  }
0x13: {  	[smem:$0x3FB6] =	sst s0;
	s0 =	simm.s32 @!p1 $0x0  }
0x14: {  	s2 =	sld [smem:$0x3F9A];
	s0 =	simm.s32 @p1 $0x1  }
0x15: {  	[smem:$0x3FB7] =	sst s0;
	s0 =	simm.s32 @!p2 $0x0  }
0x16: {  	s3 =	sld [smem:$0x3FDB];
	s0 =	simm.s32 @p2 $0x1  }
0x17: {  	s4 =	simm.s32 $0x1BF5;
	[smem:$0x3FB9] =	sst s0  }
0x18: {  	s0 =	sld [smem:$0x3F9C];
	_ =	swait.ge [sflag:s4], $0x0  }
0x19: {  	s7 =	sld [smem:$0x3F9D]  }
0x1a: {  	s8 =	sadd.s32 $0xFFFFE003, lr  }
0x1b: {  	s9 =	sadd.s32 $0xFFFFFEF7, lr;
	s5 =	simm.s32 $0xFFFFFFFF;
	p2 =	slt.u32 s8, $0xFFFFF086  }
0x1c: {  	p1 =	slt.u32 s9, $0xF7A;
	s5 =	simm.s32 @!p2 $0x0  }
0x1d: {  	s5 =	simm.s32 @p1 $0x1;
	p0 =	seq.s32 s7, s2  }
0x1e: {  	s7 =	smul.u32 @!p0 $0xF7A, s2;
	p2 =	seq.s32 @!p0 s5, $0x0  }
0x1f: {  	s9 =	smul.u32 $0xF7A, s1;
	s8 =	simm.s32 @!p0 $0x1BF5;
	p2 =	por !p2, p0  }
0x20: {  	[sflag:s8] =	ssyncset.s32 @!p0 $0xFFFFF086;
	s6 =	sadd.s32 @!p0 s3, s7;
	s7 =	simm.s32 @!p0 $0x108  }
0x21: {  	s3 =	sadd.s32 s3, s9;
	s6 =	sadd.s32 @!p0 $0x88, s6;
	s7 =	simm.s32 @p2 $0x1082  }
0x22: {  	[simem:s7], [sflag:s8] =	dma.local @!p0 [hbm:s6], $0xF7A  }
0x23: {  	s9 =	sor.u32 $0xD0000000, s2;
	s6 =	simm.s32 $0x108;
	_ =	swait.ge @!p0 [sflag:s8], $0x0  }
0x24: {  	s3 =	sadd.s32 $0x88, s3;
	s6 =	simm.s32 @!p1 $0x1082;
	[sflag:s4] =	ssyncset.s32 $0xFFFFF086  }
0x25: {  	[simem:s6], [sflag:s4] =	dma.local [hbm:s3], $0xF7A  }
0x26: {  	[smem:$0x3F9D] =	sst s1;
	(tag) =	ssettag s2;
	_ =	strace s9  }
0x27: {  	s1 =	sld [smem:$0x3FAD]  }
0x28: {  	s2 =	sld [smem:$0x3FAE]  }
0x29: {  	s4 =	sld [smem:$0x3FB0]  }
0x2a: {  	p0 =	seq.s32 s5, $0x0;
	s5 =	sld [smem:$0x3FB1]  }
0x2b: {  	s6 =	sld [smem:$0x3FB2]  }
0x2c: {  	s7 =	sld [smem:$0x3FB3]  }
0x2d: {  	s3 =	simm.s32 $0x108;
	s8 =	sld [smem:$0x3FB4]  }
0x2e: {  	s3 =	simm.s32 @!p0 $0x1082;
	s9 =	sld [smem:$0x3FB5]  }
0x2f: {  	lr =	sadd.s32 s0, s3;
	s0 =	sld [smem:$0x3FAC]  }
0x30: {  	s3 =	sld [smem:$0x3FAF]  }
0x31: {  	[smem:$0x3FB8] =	sst s10  }
0x32: {  	s10 =	sld [smem:$0x3FB6];
	_ =	sdelay $0x3  }
0x33: {  	p0 =	seq.s32 s10, $0x1;
	s10 =	sld [smem:$0x3FB8];
	_ =	sdelay $0x3  }
0x34: {  	[smem:$0x3FB8] =	sst s10  }
0x35: {  	s10 =	sld [smem:$0x3FB7];
	_ =	sdelay $0x3  }
0x36: {  	p1 =	seq.s32 s10, $0x1;
	s10 =	sld [smem:$0x3FB8];
	_ =	sdelay $0x3  }
0x37: {  	[smem:$0x3FB8] =	sst s10  }
0x38: {  	s10 =	sld [smem:$0x3FB9]  }
0x39: {  	_ = 	snop;
	(pc) =	sbr.ind lr, $3  }
0x3a: {  	_ = 	snop  }
0x3b: {  	_ = 	snop  }
0x3c: {  	p2 =	seq.s32 s10, $0x1;
	s10 =	sld [smem:$0x3FB8]  }
0x3d: {  	_ =	shalt  }
0x3e: {  	_ =	shalt  }
0x3f: {  	_ =	shalt  }
0x40: {  	_ =	shalt  }
0x41: {  	_ =	shalt  }
0x42: {  	_ =	shalt  }
0x43: {  	_ =	shalt  }
0x44: {  	_ =	shalt  }
0x45: {  	_ =	shalt  }
0x46: {  	_ =	shalt  }
0x47: {  	_ =	shalt  }
0x48: {  	_ =	shalt  }
0x49: {  	_ =	shalt  }
0x4a: {  	_ =	shalt  }
0x4b: {  	_ =	shalt  }
0x4c: {  	_ =	shalt  }
0x4d: {  	_ =	shalt  }
0x4e: {  	_ =	shalt  }
0x4f: {  	_ =	shalt  }
0x50: {  	_ =	shalt  }
0x51: {  	_ =	shalt  }
0x52: {  	_ =	shalt  }
0x53: {  	_ =	shalt  }
0x54: {  	_ =	shalt  }
0x55: {  	_ =	shalt  }
0x56: {  	_ =	shalt  }
0x57: {  	_ =	shalt  }
0x58: {  	_ =	shalt  }
0x59: {  	_ =	shalt  }
0x5a: {  	_ =	shalt  }
0x5b: {  	_ =	shalt  }
0x5c: {  	_ =	shalt  }
0x5d: {  	_ =	shalt  }
0x5e: {  	_ =	shalt  }
0x5f: {  	_ =	shalt  }
0x60: {  	_ =	shalt  }
0x61: {  	_ =	shalt  }
0x62: {  	_ =	shalt  }
0x63: {  	_ =	shalt  }
0x64: {  	_ =	shalt  }
0x65: {  	_ =	shalt  }
0x66: {  	_ =	shalt  }
0x67: {  	_ =	shalt  }
0x68: {  	_ =	shalt  }
0x69: {  	_ =	shalt  }
0x6a: {  	_ =	shalt  }
0x6b: {  	_ =	shalt  }
0x6c: {  	_ =	shalt  }
0x6d: {  	_ =	shalt  }
0x6e: {  	_ =	shalt  }
0x6f: {  	_ =	shalt  }
0x70: {  	_ =	shalt  }
0x71: {  	_ =	shalt  }
0x72: {  	_ =	shalt  }
0x73: {  	_ =	shalt  }
0x74: {  	_ =	shalt  }
0x75: {  	_ =	shalt  }
0x76: {  	_ =	shalt  }
0x77: {  	_ =	shalt  }
0x78: {  	_ =	shalt  }
0x79: {  	_ =	shalt  }
0x7a: {  	_ =	shalt  }
0x7b: {  	_ =	shalt  }
0x7c: {  	_ =	shalt  }
0x7d: {  	_ =	shalt  }
0x7e: {  	_ =	shalt  }
0x7f: {  	_ =	shalt  }
0x80: {  	_ =	shalt  }
0x81: {  	_ =	shalt  }
0x82: {  	_ =	shalt  }
0x83: {  	_ =	shalt  }
0x84: {  	_ =	shalt  }
0x85: {  	_ =	shalt  }
0x86: {  	_ =	shalt  }
0x87: {  	_ =	shalt  }
.Lfunc_end0:
.L_simem_size_0:
called_computation_lowered:
.L_overlay_start_0:
0x88: {  	s2 =	sld [smem:$0x3FD9]  }
0x89: {  	s3 =	sld [smem:$0x3FFE];
	_ =	sdelay $0x1  }
0x8a: {  	s1 =	srdreg.scid  }
0x8b: {  	s0 =	sand.u32 $0x1, s1  }
0x8c: {  	s14 =	sshll.u32 s0, $0xA;
	s2 =	sadd.s32 s3, s2  }
0x8d: {  	s2 =	sadd.s32 s2, s14  }
0x8e: {  	[smem:$0x3FC4] =	sst s2  }
0x8f: {  	_ = 	snop  }
0x90: {  	s2 =	sld [smem:$0x3FC9]  }
0x91: {  	s15 =	sld [smem:$0x3FD0]  }
0x92: {  	s4 =	sld [smem:$0x3FC8]  }
0x93: {  	s5 =	sld [smem:$0x3FC7]  }
0x94: {  	s7 =	simm.s32 $0xA;
	s8 =	simm.s32 $0x10;
	s6 =	sld [smem:$0x3FC6]  }
0x95: {  	[smem:s8], [sflag:s7] =	dma.local [hbm:s15], $0x1  }
0x96: {  	_ =	swait.eq [sflag:s7], $0x1  }
0x97: {  	[sflag:s7] =	ssyncset.done $0x0  }
0x98: {  	[sflag:s7] =	ssyncadd.s32 $0xFFFFFFFF  }
0x99: {  	s16 =	sld [smem:$0x12];
	(tm) =	ssettm $0x1  }
0x9a: {  	s17 =	sld [smem:$0x3FFB];
	_ =	sdelay $0x3  }
0x9b: {  	_ =	strace s17  }
0x9c: {  	s7 =	sld [smem:$0x3FFC];
	_ =	sdelay $0x3  }
0x9d: {  	_ =	strace s7  }
0x9e: {  	s7 =	sld [smem:$0x3FFD];
	_ =	sdelay $0x3  }
0x9f: {  	_ =	strace s7  }
0xa0: {  	_ =	strace $0x8FFFFFFF  }
0xa1: {  	s18 =	sld [smem:$0x3FDB];
	_ =	sdelay $0x1  }
0xa2: {  	s19 =	simm.s32 $_scs_section_size  }
0xa3: {  	s9 =	simm.s32 $_size__tile_overlayer_lowered;
	s10 =	simm.s32 $_tile_overlayer_lowered  }
0xa4: {  	s22 =	simm.s32 $0x1BFF;
	s21 =	sshll.u32 s10, $0x1;
	s7 =	sadd.s32 s19, s18  }
0xa5: {  	s11 =	simm.s32 $0x0;
	s20 =	sshll.u32 s9, $0x1;
	s9 =	sadd.s32 s21, s7  }
0xa6: {  	[timem:s11], [sflag:s22] =	dma.local [hbm:s9], s20  }
0xa7: {  	_ =	swait.ge [sflag:s22], s20  }
0xa8: {  	s8 =	ssub.s32 $0x0, s20;
	[sflag:s22] =	ssyncset.done $0x0  }
0xa9: {  	[sflag:s22] =	ssyncadd.s32 s8;
	_ =	sdelay $0x1  }
0xaa: {  	s23 =	simm.s32 $0x1B8B  }
0xab: {  	_ =	swait.ge [sflag:s23], $0x1  }
0xac: {  	[sflag:s23] =	ssyncset.done $0x0  }
0xad: {  	s25 =	simm.s32 $0x1B8E;
	s24 =	sld [smem:$0x3FFE];
	[sflag:s23] =	ssyncadd.s32 $0xFFFFFFFF  }
0xae: {  	s26 =	simm.s32 $execute0_lowered;
	[smem:$0x3FD2] =	sst s25  }
0xaf: {  	s9 =	sshll.u32 s26, $0x1;
	_ =	strace $0x80000046;
	[dreg:$0x1] =	wrdreg $0xFFFFFFFF  }
0xb0: {  	s28 =	simm.s32 $_size_execute0_lowered;
	s7 =	sadd.s32 s7, s9;
	[dreg:$0x0] =	wrdreg $0x0  }
0xb1: {  	s9 =	sshll.u32 s28, $0x1;
	[dreg:$0x2] =	wrdreg s7  }
0xb2: {  	[dreg:$0x3] =	wrdreg s9  }
0xb3: {  	[dreg:$0x4] =	wrdreg $0xC0  }
0xb4: {  	_ =	task [dreg:s11], $0x5FFFF  }
0xb5: {  	[dreg:$0x1] =	wrdreg $0xFFFFFFFF  }
0xb6: {  	[dreg:$0x0] =	wrdreg $0x60  }
0xb7: {  	[dreg:$0x2] =	wrdreg s2  }
0xb8: {  	[dreg:$0x3] =	wrdreg s4  }
0xb9: {  	[dreg:$0x4] =	wrdreg s5  }
0xba: {  	[dreg:$0x5] =	wrdreg s6  }
0xbb: {  	[dreg:$0x6] =	wrdreg s16  }
0xbc: {  	[dreg:$0x7] =	wrdreg s24  }
0xbd: {  	[dreg:$0x8] =	wrdreg $0x9  }
0xbe: {  	_ =	task.clear_ibuf [dreg:s11], $0x9FFFF;
	_ =	strace $0x90000046  }
0xbf: {  	s29 =	simm.s32 $0x9;
	_ =	strace $0x80000048  }
0xc0: {  	_ =	swait.ge [sflag:s29], $0x1  }
0xc1: {  	[sflag:s29] =	ssyncadd.s32 $0xFFFFFFFF  }
0xc2: {  	_ =	strace $0x90000048  }
0xc3: {  	_ =	sfence  }
0xc4: {  	s30 =	sld [smem:$0x0];
	_ =	sdelay $0x2  }
0xc5: {  	s31 =	sshll.u32 s1, $0xD;
	s1 =	sshrl.u32 s1, $0x2  }
0xc6: {  	s3 =	sand.u32 $0x4000, s31;
	s1 =	sadd.s32 s1, s30  }
0xc7: {  	s0 =	sor.u32 s3, s0;
	s1 =	sshll.u32 s1, $0x11  }
0xc8: {  	s0 =	sor.u32 s1, s0  }
0xc9: {  	s0 =	sadd.s32 $0x8F2B, s0  }
0xca: {  	[sflag:s0] =	ssyncadd.remote.s32 $0x1  }
0xcb: {  	_ =	sfence.sel $0xFFFF  }
0xcc: {  	[dreg:$0x0] =	wrdreg $0xFFFFFFFF;
	(pc) =	sbr.abs _section_cstart, $3  }
0xcd: {  	[dreg:$0x1] =	wrdreg $0xFFFFFFFF  }
0xce: {  	_ =	task.clear_ibuf [dreg:s11], $0x2FFFF;
	_ =	strace $0x9FFFFFFF  }
0xcf: {  	(tm) =	ssettm $0x7FFFFFFF  }
tec
execute0_lowered:
.L_overlay_start_1:
0x0: {  	(tag) =	ssettag $0x1  }
0x1: {  	s1 =	srdreg.scid  }
0x2: {  	s0 =	stileid.u32;
	s8 =	sand.u32 $0x1, s1  }
0x3: {  	s2 =	rddreg [dreg:$0x1];
	s3 =	sor.u32 s8, s0  }
0x4: {  	s4 =	rddreg [dreg:$0x3];
	p1 =	seq.s32 s8, $0x1;
	p0 =	seq.s32 s3, $0x0  }
0x5: {  	s9 =	rddreg [dreg:$0x4];
	p0 =	por !p0, !p1  }
0x6: {  	s5 =	simm.s32 $0x1;
	s10 =	rddreg [dreg:$0x5];
	p0 =	por !p0, !p0  }
0x7: {  	s6 =	simm.s32 $0x0;
	s17 =	simm.s32 $0x400;
	s5 =	simm.s32 @!p0 $0x0  }
0x8: {  	s18 =	simm.s32 $0x200;
	s19 =	simm.s32 $0xA00;
	s11 =	ssub.s32 s0, s5  }
0x9: {  	s20 =	simm.s32 $0x1200;
	s1 =	rddreg [dreg:$0x0];
	s12 =	sand.u32 $0xC0, s11  }
0xa: {  	s21 =	simm.s32 $0x0;
	[smem:$0x7FF] =	sst s6;
	s12 =	sshrl.u32 s12, $0x6  }
0xb: {  	s13 =	sshll.u32 s8, $0xE;
	s15 =	ssub.s32 $0x2, s8;
	s12 =	sadd.s32 s12, s11  }
0xc: {  	s16 =	sshll.u32 s8, $0xB;
	s14 =	sshll.u32 s11, $0x7;
	s25 =	sand.u32 $0xFFFFFFFC, s12  }
0xd: {  	s3 =	rddreg [dreg:$0x2];
	s24 =	sand.u32 $0x380, s14;
	s14 =	ssub.s32 s11, s25  }
0xe: {  	s7 =	sshll.u32 s11, $0xC;
	p6 =	sne.s32 s14, $0x0;
	s14 =	sshll.u32 s14, $0x2  }
0xf: {  	_ =	strace $0x80000047;
	s7 =	sand.u32 $0xFFFF8000, s7;
	s30 =	sand.u32 $0xC, s14  }
0x10: {  	v0 =	vlaneseq.u32;
	s28 =	sshrl.u32 s15, $0x1;
	s7 =	sor.u32 s13, s7;
	s31 =	sadd.s32 $0x4, s30  }
0x11: {  	v2 =	vadd.s32 $0x1, v0;
	s15 =	ssub.s32 s15, s28;
	p5 =	slt.s32 s11, $0x1;
	s13 =	sor.u32 s24, s7;
	v1 =	vmov s30;
	v3 =	vmov s31  }
0x12: {  	s7 =	simm.s32 $0x1;
	s12 =	sshrl.u32 s12, $0x2;
	s13 =	sshrl.u32 s13, $0x3;
	vm0 =	vlt.u32 v1, v2;
	vm1 =	vgt.u32 v3, v0  }
0x13: {  	s26 =	sadd.s32 s13, s10;
	s10 =	simm.s32 $0x1;
	p0 =	por !p5, !p6;
	v1 =	vimm.s32 $0x0;
	vm0 =	vmand vm0, vm1  }
0x14: {  	s9 =	sadd.s32 s9, s13;
	s13 =	sor.u32 $0x30, s16;
	p0 =	por !p0, !p0;
	v1 =	vsel vm0, $0xFFFFFFFF, v1  }
0x15: {  	vm15 =	vmmov $0x1;
	s16 =	simm.s32 $0x180;
	s11 =	sadd.s32 $0x2A00, s26;
	s10 =	simm.s32 @!p0 $0x0;
	[tilespmem:$0x1FFE0] =	vst v1;
	v1 =	vimm.s32 $0x0  }
0x16: {  	s14 =	simm.s32 $0x80;
	s29 =	ssub.s32 s12, s10;
	s10 =	sadd.s32 $0xA00, s26;
	v1 =	vsel vm15, $0xFFFFFFFF, v1  }
0x17: {  	s12 =	smax.u32 s15, $0x1;
	s15 =	simm.s32 $0x100;
	s8 =	sshll.u32 s29, $0x4;
	[tilespmem:$0x1FFF0] =	vst v1;
	v1 =	vimm.s32 $0x0  }
.LBB2_1:
0x18: {  	[tilespmem:s6], [sflag:$0x1] =	stream.linear.gather [hbm4b:s1+s6], $0x80, $0x38;
	[tilespmem:$0x1A00] =	vst v63  }
0x19: {  	_ =	swait.ge [sflag:s7], $0x80  }
0x1a: {  	[sflag:s7] =	ssyncset.done $0x0  }
0x1b: {  	[sflag:s7] =	ssyncadd.s32 $0xFFFFFF80  }
0x1c: {  	[tilespmem:s14], [sflag:$0x1] =	stream.linear.gather [hbm4b:s2+s6], $0x80, $0x38;
	[tilespmem:$0x1A00] =	vst v63  }
0x1d: {  	_ =	swait.ge [sflag:s7], $0x80  }
0x1e: {  	[sflag:s7] =	ssyncset.done $0x0  }
0x1f: {  	[sflag:s7] =	ssyncadd.s32 $0xFFFFFF80  }
0x20: {  	[tilespmem:s15], [sflag:$0x1] =	stream.linear.gather [hbm4b:s3+s6], $0x80, $0x38;
	[tilespmem:$0x1A00] =	vst v63  }
0x21: {  	_ =	swait.ge [sflag:s7], $0x80  }
0x22: {  	[sflag:s7] =	ssyncset.done $0x0  }
0x23: {  	[sflag:s7] =	ssyncadd.s32 $0xFFFFFF80  }
0x24: {  	[tilespmem:s16], [sflag:$0x1] =	stream.linear.gather [hbm4b:s4+s6], $0x80, $0x38;
	[tilespmem:$0x1A00] =	vst v63  }
0x25: {  	_ =	swait.ge [sflag:s7], $0x80  }
0x26: {  	[sflag:s7] =	ssyncset.done $0x0  }
0x27: {  	[sflag:s7] =	ssyncadd.s32 $0xFFFFFF80  }
0x28: {  	v2 =	vld [tilespmem:s8+$0x0]  }
0x29: {  	v3 =	vld [tilespmem:s8+$0x80]  }
0x2a: {  	v4 =	vld [tilespmem:s8+$0x100];
	_ =	sdelay $0x3  }
0x2b: {  	vm0 =	vlt.f32 v2, $5.000000000e-01  }
0x2c: {  	v2 =	vsel vm0, v3, v4  }
0x2d: {  	v2 =	vmul.f32 $4.096000000e+03, v2;
	_ =	sdelay $0x1  }
0x2e: {  	v2 =	vtrunc.f32 v2  }
0x2f: {  	v2 =	vcvt.f32.s32 v2;
	_ =	sdelay $0x1  }
0x30: {  	vm0 =	vgt.s32 v2, $0x1  }
0x31: {  	v2 =	vnsel vm0, $0x1, v2  }
0x32: {  	v3 =	vsub.s32 $0x1000, v2  }
0x33: {  	vm0 =	vgt.s32 v3, $0x0  }
0x34: {  	v4 =	vld [tilespmem:s8+$0x180];
	v3 =	vnsel vm0, $0x0, v3  }
0x35: {  	v3 =	vcvt.s32.f32 v3;
	_ =	sdelay $0x1  }
0x36: {  	v3 =	vadd.f32 $1.000000000e+00, v3;
	_ =	sdelay $0x1  }
0x37: {  	v3 =	vmul.f32 v3, v4;
	_ =	sdelay $0x1  }
0x38: {  	v4 =	vld [tilespmem:$0x1FFE0];
	v3 =	vtrunc.f32 v3  }
0x39: {  	v3 =	vcvt.f32.s32 v3;
	_ =	sdelay $0x1  }
0x3a: {  	v2 =	vadd.s32 v3, v2  }
0x3b: {  	vm0 =	vlt.s32 v2, $0x1000  }
0x3c: {  	v3 =	vxor.u32 $0x80000000, v3;
	v2 =	vnsel vm0, $0x1000, v2;
	vm0 =	vnez.u8 v4  }
0x3d: {  	v2 =	vnsel vm0, $0x0, v2;
	v3 =	vnsel vm0, $0xC0000000, v3  }
0x3e: {  	(xrf1) =	vsort.ascd.msk.u32 $0xffff, v3, v2;
	_ =	sdelay $0x9  }
0x3f: {  	v4 =	vld [tilespmem:$0x1FFF0];
	_ =	sdelay $0x3  }
0x40: {  	v2, v3, _ =	vpop (xrf1)  }
0x41: {  	vm0 =	vnez.u8 v4;
	v2 =	vxor.u32 $0x80000000, v2  }
0x42: {  	v4 =	vnsel vm0, $0x0, v2  }
0x43: {  	(xrf0) =	vadd.scan.msk.s32 $0xffff, v4  }
0x44: {  	v4 =	vnsel vm0, $0x0, v3  }
0x45: {  	vm0 =	vcmask $0x308;
	(xrf0) =	vadd.scan.msk.s32 $0xffff, v4  }
0x46: {  	v4 =	vsel vm0, $0x0, v2  }
0x47: {  	(xrf0) =	vadd.scan.msk.s32 $0xffff, v4  }
0x48: {  	v4 =	vsel vm0, $0x0, v3  }
0x49: {  	vm0 =	vcmask $0x70C;
	v5, _, _ =	vpop (xrf0);
	(xrf0) =	vadd.scan.msk.s32 $0xffff, v4  }
0x4a: {  	v4 =	vsel vm0, $0x0, v2  }
0x4b: {  	(v2sf) =	vpush v5, $0xF;
	v5, _, _ =	vpop (xrf0);
	(xrf0) =	vadd.scan.msk.s32 $0xffff, v4  }
0x4c: {  	v4 =	vsel vm0, $0x0, v3;
	(v2sf) =	vpush v5, $0xF  }
0x4d: {  	vm0 =	vcmask $0xB10;
	v5, _, _ =	vpop (xrf0);
	(xrf0) =	vadd.scan.msk.s32 $0xffff, v4  }
0x4e: {  	v2 =	vsel vm0, $0x0, v2;
	(v2sf) =	vpush v5, $0xF  }
0x4f: {  	v4, _, _ =	vpop (xrf0);
	(xrf0) =	vadd.scan.msk.s32 $0xffff, v2  }
0x50: {  	v2 =	vsel vm0, $0x0, v3;
	(v2sf) =	vpush v4, $0xF  }
0x51: {  	v3, _, _ =	vpop (xrf0)  }
0x52: {  	(xrf0) =	vadd.scan.msk.s32 $0xffff, v2;
	(v2sf) =	vpush v3, $0xF  }
0x53: {  	v2, _, _ =	vpop (xrf0)  }
0x54: {  	(v2sf) =	vpush v2, $0xF  }
0x55: {  	v2, _, _ =	vpop (xrf0)  }
0x56: {  	(v2sf) =	vpush v2, $0xF;
	_ =	sdelay $0x1  }
0x57: {  	v2, _, _ =	vpop (xrf0)  }
0x58: {  	(v2sf) =	vpush v2, $0xF  }
0x59: {  	s23 =	spop (v2sf)  }
0x5a: {  	p0 =	sgt.s32 s23, $0x0;
	s22 =	spop (v2sf)  }
0x5b: {  	s23 =	simm.s32 @!p0 $0x0;
	p0 =	sgt.s32 s22, $0x0  }
0x5c: {  	s25 =	spop (v2sf);
	s24 =	ssub.s32 s22, s23;
	s22 =	simm.s32 @!p0 $0x0  }
0x5d: {  	p0 =	sgt.s32 s25, s22;
	s26 =	smov.u32 s22  }
0x5e: {  	s26 =	smov.u32 @p0 s25;
	s28 =	spop (v2sf)  }
0x5f: {  	s25 =	ssub.s32 s28, s26;
	p0 =	sgt.s32 s22, s28  }
0x60: {  	s29 =	spop (v2sf);
	s28 =	smov.u32 @p0 s22;
	p0 =	sgt.s32 s24, $0x0  }
0x61: {  	s24 =	simm.s32 @!p0 $0x0;
	p0 =	sgt.s32 s29, s28;
	s30 =	smov.u32 s28  }
0x62: {  	s22 =	spop (v2sf);
	s30 =	smov.u32 @p0 s29;
	p0 =	sgt.s32 s25, $0x0  }
0x63: {  	s25 =	simm.s32 @!p0 $0x0;
	s29 =	ssub.s32 s22, s30;
	p0 =	sgt.s32 s28, s22  }
0x64: {  	s31 =	spop (v2sf);
	s22 =	smov.u32 @p0 s28;
	s28 =	sadd.s32 s23, s24  }
0x65: {  	v17 =	vor.u32 s13, v0;
	v2 =	vmov s23;
	v5 =	vmov s26;
	s5 =	sadd.s32 s26, s25;
	s25 =	sadd.s32 s25, s24;
	p0 =	sgt.s32 s31, s22  }
0x66: {  	v4 =	vmov s24;
	v9 =	vmov s30;
	s24 =	ssub.s32 s26, s24;
	v3 =	vmov s28;
	s22 =	smov.u32 @p0 s31;
	p0 =	sgt.s32 s29, $0x0  }
0x67: {  	s0 =	spop (v2sf);
	v6 =	vmov s5;
	v7 =	vmov s25;
	v8 =	vmov s24;
	s29 =	simm.s32 @!p0 $0x0  }
0x68: {  	vm3 =	vge.s32 v17, v7;
	vm10 =	vlt.s32 v17, v7;
	v62 =	vadd.s32 v8, v17;
	s31 =	ssub.s32 s0, s22;
	s0 =	sadd.s32 $0xFFFFFFD0, s13;
	s28 =	sadd.s32 s30, s29  }
0x69: {  	v13 =	vmov s22;
	s23 =	sadd.s32 s29, s25;
	s25 =	ssub.s32 s30, s25;
	v18 =	vor.u32 s0, v0;
	v10 =	vmov s28  }
0x6a: {  	v11 =	vmov s23;
	v12 =	vmov s25;
	vm0 =	vge.u32 v18, v2  }
0x6b: {  	vm1 =	vlt.s32 v18, v3;
	vm4 =	vge.u32 v18, v5;
	vm7 =	vlt.u32 v18, v4  }
0x6c: {  	s25 =	sadd.s32 $0xFFFFFFE0, s13;
	vm8 =	vge.u32 v18, v13;
	v16 =	vadd.s32 v2, v18;
	vm9 =	vge.u32 v18, v4  }
0x6d: {  	p0 =	sgt.s32 s31, $0x0;
	vm11 =	vge.s32 v18, v7;
	v21 =	vadd.s32 v8, v18;
	v19 =	vor.u32 s25, v0  }
0x6e: {  	s31 =	simm.s32 @!p0 $0x0;
	vm2 =	vlt.s32 v17, v11;
	vm1 =	vmand vm0, vm1;
	vm0 =	vlt.s32 v18, v6  }
0x6f: {  	s26 =	sadd.s32 s22, s31;
	s31 =	sadd.s32 s31, s23;
	vm6 =	vlt.s32 v18, v10;
	v20 =	vadd.s32 v12, v18;
	v16 =	vnsel vm7, $0x1000, v16  }
0x70: {  	v63 =	vadd.s32 v12, v17;
	v14 =	vmov s26;
	v15 =	vmov s31  }
0x71: {  	vm5 =	vmand vm3, vm2;
	vm2 =	vge.u32 v18, v9;
	vm4 =	vmand vm4, vm0  }
0x72: {  	vm0 =	vlt.s32 v18, v7;
	vm13 =	vge.u32 v19, v5;
	vm7 =	vlt.s32 v19, v3  }
0x73: {  	vm14 =	vlt.s32 v19, v6;
	v23 =	vadd.s32 v2, v19;
	vm15 =	vlt.u32 v19, v4  }
0x74: {  	s26 =	sadd.s32 $0xFFFFFFF0, s13;
	vm3 =	vlt.s32 v18, v14;
	vm12 =	vmand vm2, vm6;
	vm2 =	vge.u32 v17, v4  }
0x75: {  	vm0 =	vmand vm9, vm0;
	v22 =	vor.u32 s26, v0;
	vm4 =	vmor vm1, vm4  }
0x76: {  	vm1 =	vmand vm13, vm14;
	vm14 =	vge.s32 v19, v11;
	v23 =	vnsel vm15, $0x1000, v23  }
0x77: {  	vm6 =	vmand vm2, vm10;
	vm2 =	vlt.s32 v18, v11;
	vm10 =	vmand vm8, vm3  }
0x78: {  	vm3 =	vge.u32 v19, v2;
	vm9 =	vge.u32 v22, v5;
	vm13 =	vlt.s32 v22, v15  }
0x79: {  	vm4 =	vmor vm12, vm4;
	vm12 =	vge.s32 v22, v11;
	v26 =	vadd.s32 v2, v22  }
0x7a: {  	v16 =	vsel vm0, v21, v16;
	vm0 =	vlt.s32 v22, v11;
	v21 =	vadd.s32 v8, v22  }
0x7b: {  	v60 =	vadd.s32 v12, v22;
	vm8 =	vmand vm11, vm2;
	vm2 =	vge.u32 v19, v13  }
0x7c: {  	vm11 =	vlt.s32 v19, v14;
	vm3 =	vmand vm3, vm7;
	vm7 =	vmand vm12, vm13  }
0x7d: {  	vm12 =	vlt.s32 v19, v15;
	vm4 =	vmor vm10, vm4;
	vm10 =	vge.u32 v22, v2  }
0x7e: {  	vm13 =	vlt.s32 v22, v7;
	v24 =	vsel vm4, $0x1, v1;
	vm4 =	vmneg vm4  }
0x7f: {  	s31 =	ssub.s32 s22, s23;
	vm2 =	vmand vm2, vm11;
	vm11 =	vge.s32 v22, v7;
	v20 =	vsel vm8, v20, v16  }
0x80: {  	vm8 =	vge.u32 v22, v9;
	v16 =	vmov s31;
	vm3 =	vmor vm3, vm1  }
0x81: {  	v25 =	vsel vm4, $0x1, v1;
	vm4 =	vlt.s32 v22, v3;
	vm0 =	vmand vm11, vm0  }
0x82: {  	vm11 =	vlt.s32 v22, v10;
	vm15 =	vmand vm10, vm4;
	vm10 =	vge.u32 v22, v4  }
0x83: {  	vm4 =	vmand vm14, vm12;
	vm12 =	vlt.u32 v22, v4;
	vm13 =	vmand vm10, vm13  }
0x84: {  	vm10 =	vlt.s32 v19, v11;
	v26 =	vnsel vm12, $0x1000, v26;
	vm12 =	vge.s32 v19, v7  }
0x85: {  	vm11 =	vmand vm8, vm11;
	vm14 =	vlt.s32 v18, v15;
	vm10 =	vmand vm12, vm10  }
0x86: {  	vm12 =	vlt.s32 v22, v6;
	v26 =	vsel vm13, v21, v26;
	vm13 =	vlt.s32 v19, v10  }
0x87: {  	s22 =	simm.s32 $0xA20;
	v21 =	vadd.s32 v12, v19;
	vm9 =	vmand vm9, vm12;
	vm12 =	vge.s32 v18, v11  }
0x88: {  	[tilespmem:s22+$0xFFFFFFE0] =	vst v24;
	v18 =	vadd.s32 v16, v18;
	v24 =	vsel vm0, v60, v26;
	vm8 =	vmand vm12, vm14  }
0x89: {  	vm12 =	vge.u32 v19, v9;
	vm9 =	vmor vm15, vm9;
	vm14 =	vlt.s32 v22, v14  }
0x8a: {  	vm15 =	vlt.s32 v17, v3;
	v18 =	vsel vm8, v18, v20;
	vm8 =	vge.u32 v22, v13  }
0x8b: {  	vm12 =	vmand vm12, vm13;
	vm13 =	vge.u32 v19, v4;
	v20 =	vadd.s32 v8, v19  }
0x8c: {  	vm8 =	vmand vm8, vm14;
	vm14 =	vlt.s32 v19, v7;
	v19 =	vadd.s32 v16, v19  }
0x8d: {  	vm3 =	vmor vm12, vm3;
	vm1 =	vmand vm13, vm14;
	vm13 =	vge.u32 v17, v2  }
0x8e: {  	s23 =	simm.s32 $0x1220;
	vm14 =	vlt.s32 v17, v6;
	vm2 =	vmor vm2, vm3;
	v20 =	vsel vm1, v20, v23  }
0x8f: {  	s24 =	simm.s32 $0x220;
	[tilespmem:s23+$0xFFFFFFE0] =	vst v25;
	vm1 =	vmor vm11, vm9;
	vm9 =	vmand vm13, vm15;
	vm15 =	vge.u32 v17, v5  }
0x90: {  	[tilespmem:s24+$0xFFFFFFE0] =	vst v18;
	vm13 =	vge.u32 v17, v9;
	v18 =	vsel vm2, $0x1, v1;
	vm0 =	vmneg vm2  }
0x91: {  	v20 =	vsel vm10, v21, v20;
	vm10 =	vmand vm15, vm14;
	vm14 =	vlt.s32 v17, v10  }
0x92: {  	vm15 =	vlt.s32 v17, v14;
	vm1 =	vmor vm8, vm1;
	v61 =	vsel vm0, $0x1, v1  }
0x93: {  	v23 =	vsel vm4, v19, v20;
	vm9 =	vmor vm9, vm10;
	vm4 =	vmand vm13, vm14  }
0x94: {  	[tilespmem:s22+$0xFFFFFFF0] =	vst v18;
	vm13 =	vge.u32 v17, v13;
	v19 =	vadd.s32 v2, v17;
	vm0 =	vmneg vm1  }
0x95: {  	[tilespmem:s23+$0xFFFFFFF0] =	vst v61;
	vm4 =	vmor vm4, vm9;
	vm14 =	vmand vm13, vm15;
	vm15 =	vlt.u32 v17, v4  }
0x96: {  	[tilespmem:s24+$0xFFFFFFF0] =	vst v23;
	v23 =	vsel vm0, $0x1, v1;
	vm0 =	vge.s32 v17, v11;
	vm3 =	vmor vm14, vm4  }
0x97: {  	v19 =	vnsel vm15, $0x1000, v19;
	v21 =	vsel vm3, $0x1, v1;
	vm3 =	vmneg vm3  }
0x98: {  	v18 =	vsel vm6, v62, v19;
	v19 =	vadd.s32 v16, v22;
	v22 =	vsel vm1, $0x1, v1  }
0x99: {  	s29 =	simm.s32 $0x260;
	s30 =	simm.s32 $0xA60;
	vm1 =	vlt.s32 v17, v15;
	v20 =	vsel vm3, $0x1, v1;
	v19 =	vsel vm7, v19, v24;
	[tilespmem:s22+$0x0] =	vst v22  }
0x9a: {  	s28 =	sadd.s32 $0x40, s13;
	s25 =	simm.s32 $0x0;
	s26 =	simm.s32 $0x1260;
	v18 =	vsel vm5, v63, v18;
	vm0 =	vmand vm0, vm1;
	v22 =	vadd.s32 v16, v17;
	[tilespmem:s23+$0x0] =	vst v23  }
.LBB2_2:
0x9b: {  	v17 =	vor.u32 s28, v0;
	[tilespmem:s24+$0x0] =	vst v19;
	v19 =	vsel vm0, v22, v18  }
0x9c: {  	v25 =	vimm.s32 $0x0;
	v29 =	vimm.s32 $0x0;
	v30 =	vimm.s32 $0x0  }
0x9d: {  	v31 =	vimm.s32 $0x0;
	v32 =	vimm.s32 $0x0;
	v33 =	vimm.s32 $0x0  }
0x9e: {  	v34 =	vimm.s32 $0x0;
	v35 =	vimm.s32 $0x0;
	v36 =	vimm.s32 $0x0  }
0x9f: {  	v37 =	vimm.s32 $0x0;
	v27 =	vimm.s32 $0x0;
	v39 =	vimm.s32 $0x0  }
0xa0: {  	s5 =	sadd.s32 $0xFFFFFFD0, s28;
	s0 =	sadd.s32 $0xFFFFFFE0, s28;
	v40 =	vimm.s32 $0x0;
	v41 =	vimm.s32 $0x0;
	v42 =	vimm.s32 $0x0  }
0xa1: {  	v44 =	vimm.s32 $0x0;
	v22 =	vor.u32 s5, v0;
	v23 =	vor.u32 s0, v0  }
0xa2: {  	s31 =	sadd.s32 $0xFFFFFFF0, s28;
	vm2 =	vlt.s32 v17, v11;
	vm3 =	vge.s32 v17, v7;
	vm10 =	vlt.s32 v17, v7  }
0xa3: {  	v38 =	vor.u32 s31, v0;
	vm0 =	vge.u32 v22, v2;
	vm1 =	vlt.s32 v22, v3  }
0xa4: {  	vm4 =	vge.u32 v22, v5;
	vm5 =	vlt.s32 v22, v10;
	vm2 =	vmand vm3, vm2  }
0xa5: {  	vm6 =	vlt.s32 v22, v14;
	vm7 =	vlt.u32 v22, v4;
	vm8 =	vge.u32 v22, v13  }
0xa6: {  	[tilespmem:s22+$0x10] =	vst v21;
	v21 =	vadd.s32 v2, v22;
	vm9 =	vge.u32 v22, v4;
	vm11 =	vge.s32 v22, v7  }
0xa7: {  	v24 =	vadd.s32 v12, v22;
	vm3 =	vlt.s32 v17, v14;
	vm15 =	vge.u32 v23, v5  }
0xa8: {  	vm12 =	vlt.s32 v23, v3;
	vm13 =	vlt.s32 v22, v11;
	v26 =	vadd.s32 v8, v22  }
0xa9: {  	[tilespmem:s23+$0x10] =	vst v20;
	v43 =	vadd.s32 v12, v23;
	v28 =	vadd.s32 v2, v23;
	v45 =	vadd.s32 v8, v23  }
0xaa: {  	vm0 =	vmand vm0, vm1;
	vm1 =	vlt.s32 v22, v6;
	[tilespmem:s24+$0x10] =	vst v19;
	v19 =	vimm.s32 $0x0  }
0xab: {  	v25 =	vsel vm3, $0xFFFFFFFF, v25;
	v21 =	vnsel vm7, $0x1000, v21;
	vm7 =	vmand vm8, vm6  }
0xac: {  	vm8 =	vlt.s32 v23, v6;
	vm6 =	vge.s32 v23, v11;
	v19 =	vsel vm2, $0xFFFFFFFF, v19  }
0xad: {  	vm2 =	vge.u32 v22, v9;
	vm3 =	vmand vm4, vm1;
	vm1 =	vge.u32 v17, v9  }
0xae: {  	[tilespmem:$0x1FF90] =	vst v25;
	vm4 =	vlt.s32 v22, v7;
	vm14 =	vmand vm2, vm5;
	v25 =	vsel vm1, $0xFFFFFFFF, v29  }
0xaf: {  	vm1 =	vge.u32 v17, v4;
	vm5 =	vge.u32 v23, v2;
	vm2 =	vmor vm0, vm3  }
0xb0: {  	vm0 =	vmand vm15, vm8;
	vm3 =	vlt.s32 v38, v15;
	vm1 =	vmand vm1, vm10  }
0xb1: {  	v29 =	vimm.s32 $0x0;
	[tilespmem:$0x1FF70] =	vst v25;
	v25 =	vsel vm1, $0xFFFFFFFF, v30;
	vm1 =	vge.u32 v17, v13  }
0xb2: {  	vm10 =	vlt.u32 v23, v4;
	[tilespmem:$0x1FFB0] =	vst v25;
	v25 =	vsel vm1, $0xFFFFFFFF, v31;
	vm1 =	vmand vm11, vm13  }
0xb3: {  	vm15 =	vmand vm5, vm12;
	[tilespmem:$0x1FFA0] =	vst v25;
	v25 =	vsel vm1, $0xFFFFFFFF, v32;
	vm1 =	vlt.s32 v17, v10  }
0xb4: {  	vm12 =	vge.s32 v23, v7;
	[tilespmem:$0x1FED0] =	vst v25;
	v25 =	vsel vm1, $0xFFFFFFFF, v33;
	vm1 =	vge.u32 v23, v9  }
0xb5: {  	vm5 =	vlt.s32 v23, v15;
	[tilespmem:$0x1FF80] =	vst v25;
	v25 =	vsel vm1, $0xFFFFFFFF, v34;
	vm1 =	vge.u32 v23, v13  }
0xb6: {  	vm2 =	vmor vm14, vm2;
	[tilespmem:$0x1FF10] =	vst v25;
	v25 =	vsel vm1, $0xFFFFFFFF, v35;
	vm1 =	vlt.s32 v17, v6  }
0xb7: {  	vm14 =	vge.u32 v38, v4;
	[tilespmem:$0x1FEB0] =	vst v25;
	v25 =	vsel vm1, $0xFFFFFFFF, v36;
	vm1 =	vmand vm9, vm4  }
0xb8: {  	v30 =	vadd.s32 v16, v23;
	[tilespmem:$0x1FF60] =	vst v25;
	v25 =	vsel vm1, $0xFFFFFFFF, v37;
	vm1 =	vge.s32 v22, v11  }
0xb9: {  	v28 =	vnsel vm10, $0x1000, v28;
	[tilespmem:$0x1FEC0] =	vst v25;
	v27 =	vsel vm1, $0xFFFFFFFF, v27;
	vm1 =	vge.u32 v17, v2  }
0xba: {  	vm10 =	vmand vm6, vm5;
	[tilespmem:$0x1FEF0] =	vst v27;
	v27 =	vsel vm1, $0xFFFFFFFF, v39;
	vm1 =	vlt.s32 v22, v15  }
0xbb: {  	vm6 =	vlt.s32 v38, v10;
	[tilespmem:$0x1FF50] =	vst v27;
	v27 =	vsel vm1, $0xFFFFFFFF, v40;
	vm1 =	vge.u32 v38, v5  }
0xbc: {  	vm13 =	vlt.s32 v23, v11;
	v31 =	vimm.s32 $0x0;
	[tilespmem:$0x1FF00] =	vst v27;
	v27 =	vsel vm1, $0xFFFFFFFF, v41  }
0xbd: {  	vm12 =	vmand vm12, vm13;
	v33 =	vld [tilespmem:$0x1FEC0];
	[tilespmem:$0x1FEE0] =	vst v27;
	v27 =	vsel vm0, $0xFFFFFFFF, v42;
	vm0 =	vge.u32 v23, v4  }
0xbe: {  	vm9 =	vlt.s32 v23, v14;
	v29 =	vsel vm0, $0xFFFFFFFF, v29;
	vm0 =	vlt.s32 v23, v7  }
0xbf: {  	v50 =	vld [tilespmem:$0x1FED0];
	vm4 =	vlt.s32 v38, v6;
	[tilespmem:$0x1FF30] =	vst v29;
	v29 =	vsel vm0, $0xFFFFFFFF, v44;
	vm0 =	vge.s32 v38, v11  }
0xc0: {  	v52 =	vld [tilespmem:$0x1FEF0];
	vm1 =	vge.u32 v38, v2;
	vm0 =	vmand vm0, vm3;
	vm3 =	vlt.s32 v38, v7  }
0xc1: {  	v51 =	vld [tilespmem:$0x1FEE0];
	v31 =	vsel vm0, $0xFFFFFFFF, v31;
	vm0 =	vmor vm7, vm2;
	vm2 =	vlt.s32 v38, v3  }
0xc2: {  	v53 =	vld [tilespmem:$0x1FF00];
	vm3 =	vmand vm14, vm3;
	vm14 =	vnez.u8 v33;
	v46 =	vsel vm0, $0x1, v1  }
0xc3: {  	vm0 =	vmneg vm0;
	vm8 =	vmand vm1, vm2;
	vm2 =	vlt.s32 v23, v10  }
0xc4: {  	v23 =	vadd.s32 v2, v38;
	v21 =	vsel vm14, v26, v21;
	vm14 =	vnez.u8 v50  }
0xc5: {  	v47 =	vsel vm0, $0x1, v1;
	vm0 =	vlt.u32 v38, v4;
	v21 =	vsel vm14, v24, v21  }
0xc6: {  	vm13 =	vnez.u8 v51;
	vm14 =	vnez.u8 v52;
	v23 =	vnsel vm0, $0x1000, v23  }
0xc7: {  	vm0 =	vge.u32 v38, v9;
	vm4 =	vmand vm13, vm4;
	vm13 =	vnez.u8 v53  }
0xc8: {  	v22 =	vadd.s32 v16, v22;
	vm0 =	vmand vm0, vm6;
	vm6 =	vmand vm14, vm13  }
0xc9: {  	v21 =	vsel vm6, v22, v21;
	v22 =	vld [tilespmem:$0x1FF10];
	_ =	sdelay $0x3  }
0xca: {  	v32 =	vadd.s32 v8, v38;
	[tilespmem:$0x1FF20] =	vst v27  }
0xcb: {  	v23 =	vsel vm3, v32, v23;
	vm3 =	vnez.u8 v22;
	v22 =	vld [tilespmem:$0x1FF20];
	_ =	sdelay $0x2  }
0xcc: {  	v48 =	vld [tilespmem:$0x1FEB0];
	_ =	sdelay $0x1  }
0xcd: {  	vm14 =	vnez.u8 v22;
	v22 =	vld [tilespmem:$0x1FF30];
	_ =	sdelay $0x1  }
0xce: {  	v20 =	vadd.s32 v2, v17;
	v49 =	vadd.s32 v12, v38;
	vm5 =	vge.u32 v38, v13;
	v62 =	vld [tilespmem:$0x1FFB0]  }
0xcf: {  	vm11 =	vge.s32 v38, v7;
	v54 =	vld [tilespmem:$0x1FF50];
	vm7 =	vlt.s32 v38, v14;
	vm1 =	vnez.u8 v48  }
0xd0: {  	v59 =	vld [tilespmem:$0x1FFA0];
	[tilespmem:$0x1FF40] =	vst v29;
	vm9 =	vmand vm1, vm9;
	vm1 =	vlt.s32 v38, v11;
	vm2 =	vmand vm3, vm2  }
0xd1: {  	vm3 =	vmand vm5, vm7;
	vm5 =	vmor vm15, vm14;
	vm15 =	vnez.u8 v22;
	v22 =	vld [tilespmem:$0x1FF40]  }
0xd2: {  	[tilespmem:$0x1FFD0] =	vst v19;
	v19 =	vadd.s32 v8, v17;
	v55 =	vld [tilespmem:$0x1FF60];
	vm1 =	vmand vm11, vm1;
	vm4 =	vmor vm8, vm4  }
0xd3: {  	v56 =	vld [tilespmem:$0x1FF70];
	vm13 =	vge.u32 v17, v5;
	vm4 =	vmor vm0, vm4;
	vm0 =	vlt.s32 v17, v3  }
0xd4: {  	v58 =	vld [tilespmem:$0x1FF90];
	v23 =	vsel vm1, v49, v23;
	vm14 =	vnez.u8 v54;
	vm2 =	vmor vm2, vm5  }
0xd5: {  	v57 =	vld [tilespmem:$0x1FF80];
	vm1 =	vnez.u8 v62;
	vm0 =	vmand vm14, vm0;
	vm2 =	vmor vm9, vm2  }
0xd6: {  	vm14 =	vnez.u8 v59;
	v60 =	vsel vm2, $0x1, v1;
	vm11 =	vnez.u8 v22  }
0xd7: {  	[tilespmem:$0x1FFC0] =	vst v31;
	vm2 =	vmneg vm2;
	vm6 =	vmand vm15, vm11;
	vm15 =	vnez.u8 v55  }
0xd8: {  	[tilespmem:s30+$0xFFFFFFE0] =	vst v46;
	vm11 =	vnez.u8 v56;
	v22 =	vsel vm6, v45, v28;
	vm6 =	vmand vm13, vm15  }
0xd9: {  	[tilespmem:s26+$0xFFFFFFE0] =	vst v47;
	vm13 =	vnez.u8 v58;
	vm15 =	vlt.u32 v17, v4;
	v22 =	vsel vm12, v43, v22  }
0xda: {  	[tilespmem:s29+$0xFFFFFFE0] =	vst v21;
	vm0 =	vmor vm0, vm6;
	vm12 =	vnez.u8 v57;
	v61 =	vnsel vm15, $0x1000, v20  }
0xdb: {  	[tilespmem:s30+$0xFFFFFFF0] =	vst v60;
	vm6 =	vmand vm11, vm12;
	v24 =	vsel vm1, v19, v61;
	v19 =	vsel vm2, $0x1, v1  }
0xdc: {  	vm5 =	vmand vm14, vm13;
	vm0 =	vmor vm6, vm0;
	[tilespmem:s26+$0xFFFFFFF0] =	vst v19;
	v19 =	vld [tilespmem:$0x1FFC0]  }
0xdd: {  	v63 =	vld [tilespmem:$0x1FFD0];
	vm0 =	vmor vm5, vm0  }
0xde: {  	s25 =	sadd.s32 $0x4, s25;
	v21 =	vsel vm0, $0x1, v1;
	vm0 =	vmneg vm0  }
0xdf: {  	p0 =	slt.u32 s25, $0x7C;
	v20 =	vsel vm0, $0x1, v1;
	vm0 =	vmor vm3, vm4  }
.Ltmp0:
0xe0: {  	v18 =	vadd.s32 v12, v17;
	v22 =	vsel vm10, v30, v22;
	vm1 =	vmneg vm0;
	(pc) =	sbr.rel @p0 .LBB2_2-.Ltmp0, $4  }
0xe1: {  	v25 =	vadd.s32 v16, v38;
	[tilespmem:s29+$0xFFFFFFF0] =	vst v22;
	vm2 =	vnez.u8 v19;
	v22 =	vsel vm1, $0x1, v1  }
0xe2: {  	s28 =	sadd.s32 $0x40, s28;
	v19 =	vsel vm2, v25, v23;
	v23 =	vsel vm0, $0x1, v1;
	vm0 =	vnez.u8 v63  }
0xe3: {  	s22 =	smov.u32 s30;
	s23 =	smov.u32 s26;
	s24 =	smov.u32 s29;
	vm1 =	vlt.s32 v17, v15;
	v18 =	vsel vm0, v18, v24;
	vm0 =	vge.s32 v17, v11;
	[tilespmem:s30+$0x0] =	vst v23  }
0xe4: {  	s26 =	sadd.s32 $0x40, s26;
	s29 =	sadd.s32 $0x40, s29;
	s30 =	sadd.s32 $0x40, s30;
	vm0 =	vmand vm0, vm1;
	[tilespmem:s23+$0x0] =	vst v22;
	v22 =	vadd.s32 v16, v17  }
0xe5: {  	[tilespmem:s24+$0x0] =	vst v19  }
0xe6: {  	[tilespmem:s22+$0x10] =	vst v21  }
0xe7: {  	v2 =	vsel vm0, v22, v18;
	[tilespmem:s23+$0x10] =	vst v20  }
0xe8: {  	[tilespmem:s24+$0x10] =	vst v2  }
0xe9: {  	[hbm4b:s9+s14] =	stream.strided.scatter [tilespmem:s18], [sflag:$0x1], $0x800, s17, s14, $0x38;
	[tilespmem:$0x1A00] =	vst v63  }
0xea: {  	_ =	swait.ge [sflag:s7], $0x800  }
0xeb: {  	[sflag:s7] =	ssyncset.done $0x0  }
0xec: {  	[sflag:s7] =	ssyncadd.s32 $0xFFFFF800  }
0xed: {  	[hbm4b:s10+s14] =	stream.strided.scatter [tilespmem:s19], [sflag:$0x1], $0x800, s17, s14, $0x38;
	[tilespmem:$0x1A00] =	vst v63  }
0xee: {  	s21 =	sadd.s32 $0x1, s21;
	_ =	swait.ge [sflag:s7], $0x800  }
0xef: {  	p0 =	sne.s32 s21, s12;
	[sflag:s7] =	ssyncset.done $0x0  }
.Ltmp1:
0xf0: {  	[sflag:s7] =	ssyncadd.s32 $0xFFFFF800;
	(pc) =	sbr.rel @p0 .LBB2_1-.Ltmp1, $4  }
0xf1: {  	[hbm4b:s11+s14] =	stream.strided.scatter [tilespmem:s20], [sflag:$0x1], $0x800, s17, s14, $0x38;
	[tilespmem:$0x1A00] =	vst v63  }
0xf2: {  	_ =	swait.ge [sflag:s7], $0x800  }
0xf3: {  	[sflag:s7] =	ssyncset.done $0x0  }
0xf4: {  	[sflag:s7] =	ssyncadd.s32 $0xFFFFF800  }
0xf5: {  	_ =	sfence.sel $0x180000  }
0xf6: {  	[bflag:$0x0] =	sbarrier.arrive $0xFFFF  }
0xf7: {  	_ =	strace $0x90000047  }
0xf8: {  	s0 =	stileid.u32;
	[bflag:$0x2] =	sbarrier.arrive $0xFFFF  }
0xf9: {  	p0 =	sne.s32 s0, $0x0;
	s0 =	rddreg [dreg:$0x6]  }
0xfa: {  	s0 =	sadd.s32 @!p0 $0x100000, s0  }
0xfb: {  	[sflag:s0] =	ssyncadd.tile.s32 @!p0 $0x1;
	_ =	shalt  }
.Lfunc_end2:
_tile_overlayer_lowered:
.L_overlay_start_2:
0xfc: {  	(tag) =	ssettag $0x2  }
0xfd: {  	s0 =	rddreg [dreg:$0x0];
	s2 =	stileid.u32  }
0xfe: {  	s1 =	rddreg [dreg:$0x1];
	p0 =	sne.s32 s2, $0x0  }
0xff: {  	s3 =	rddreg [dreg:$0x2];
	[bflag:$0x3] =	sbarrier.arrive $0xFFFF;
	s2 =	simm.s32 @!p0 $0x1C01  }
0x100: {  	[timem:s3], [sflag:s2] =	dma.local @!p0 [hbm:s0], s1  }
0x101: {  	s0 =	simm.s32 @!p0 $0x1  }
0x102: {  	_ =	swait.ge @!p0 [sflag:s0], s1  }
0x103: {  	s1 =	ssub.s32 @!p0 $0x0, s1;
	[sflag:s0] =	ssyncset.done @!p0 $0x0  }
0x104: {  	[sflag:s0] =	ssyncadd.s32 @!p0 s1  }
0x105: {  	[bflag:$0x3] =	sbarrier.arrive $0xFFFF  }
0x106: {  	_ =	shalt  }

</sc_bundles>
